<compile_context>
chip_gen: v7x
topology: tpu7x:2x2x1
jax: 0.10.2.dev20260603
libtpu: 0.0.44.dev20260713+nightly
codegen_flags: <defaults>
</compile_context>

<pallas_src>
import functools

import jax
import jax.numpy as jnp
from jax import lax
from jax.experimental import pallas as pl
from jax.experimental.pallas import tpu as pltpu
from jax.experimental.pallas import tpu_sc as plsc

N = 10000
E = 320000
NP = 10240
NTILES = 32
EP = 327680
PB = 5120
NPH = EP // PB
DUMMY = N

_mesh = plsc.VectorSubcoreMesh(core_axis_name="c", subcore_axis_name="s")
_params = pltpu.CompilerParams(needs_layout_passes=False)


def _deg_parts(pk1):
  ept = EP // NTILES

  @functools.partial(
      pl.kernel,
      out_type=jax.ShapeDtypeStruct((NTILES, NP), jnp.float32),
      mesh=_mesh,
      compiler_params=_params,
      scratch_types=[
          pltpu.VMEM((ept,), jnp.int32),
          pltpu.VMEM((NP,), jnp.float32),
      ],
  )
  def k(pk_hbm, out_hbm, pkv, hist):
    c = lax.axis_index("c")
    s = lax.axis_index("s")
    wid = c * 16 + s
    pltpu.sync_copy(pk_hbm.at[pl.ds(wid * ept, ept)], pkv)
    zeros = jnp.zeros((16,), jnp.float32)
    ones = jnp.ones((16,), jnp.float32)

    def zbody(i, carry):
      hist[pl.ds(i * 16, 16)] = zeros
      return carry

    lax.fori_loop(0, NP // 16, zbody, 0)

    @plsc.parallel_loop(0, ept // 16, unroll=8)
    def body(i):
      idx = lax.shift_right_logical(pkv[pl.ds(i * 16, 16)], 16)
      plsc.addupdate_scatter(hist, [idx], ones)
    pltpu.sync_copy(hist, out_hbm.at[wid])

  return k(pk1)


def _edge_scatter_t(gt, pk1):
  d = gt.shape[0]
  cpt = d // NTILES

  @functools.partial(
      pl.kernel,
      out_type=jax.ShapeDtypeStruct((d, NP), jnp.float32),
      mesh=_mesh,
      compiler_params=_params,
      scratch_types=[
          pltpu.VMEM((PB,), jnp.int32),
          pltpu.VMEM((PB,), jnp.int32),
          pltpu.VMEM((cpt, NP), jnp.float32),
          pltpu.VMEM((cpt, NP), jnp.float32),
          pltpu.SemaphoreType.DMA,
          pltpu.SemaphoreType.DMA,
      ],
  )
  def k(gt_hbm, pk_hbm, out_hbm, pkA, pkB, slab, acc, semA, semB):
    c = lax.axis_index("c")
    s = lax.axis_index("s")
    r0 = (c * 16 + s) * cpt
    pltpu.sync_copy(gt_hbm.at[pl.ds(r0, cpt)], slab)

    zeros = jnp.zeros((16,), jnp.float32)

    def zbody(i, carry):
      for cc in range(cpt):
        acc[cc, pl.ds(i * 16, 16)] = zeros
      return carry

    lax.fori_loop(0, NP // 16, zbody, 0)

    def start(ph, pv, sem):
      pltpu.async_copy(pk_hbm.at[pl.ds(ph * PB, PB)], pv, sem)

    def wait(pv, sem):
      pltpu.make_async_copy(pk_hbm.at[pl.ds(0, PB)], pv, sem).wait()

    mask = jnp.full((16,), 0xFFFF, jnp.int32)

    def process(pv):
      cvs = [jnp.full((16,), cc, jnp.int32) for cc in range(cpt)]

      @plsc.parallel_loop(0, PB // 16, unroll=4)
      def ibody(i):
        pk16 = pv[pl.ds(i * 16, 16)]
        s16 = jnp.bitwise_and(pk16, mask)
        d16 = lax.shift_right_logical(pk16, 16)
        for cc in range(cpt):
          val = plsc.load_gather(slab, [cvs[cc], s16])
          plsc.addupdate_scatter(acc, [cvs[cc], d16], val)

    start(0, pkA, semA)
    start(1, pkB, semB)

    def phases(i, carry):
      phA = 2 * i
      phB = 2 * i + 1
      wait(pkA, semA)
      process(pkA)
      start(jnp.minimum(phA + 2, NPH - 2), pkA, semA)
      wait(pkB, semB)
      process(pkB)
      start(jnp.minimum(phB + 2, NPH - 1), pkB, semB)
      return carry

    lax.fori_loop(0, NPH // 2, phases, 0)
    wait(pkA, semA)
    wait(pkB, semB)

    pltpu.sync_copy(acc, out_hbm.at[pl.ds(r0, cpt)])

  return k(gt, pk1)


def _dinvr(deg_parts):

  def body(dp_ref, or_ref):
    deg = jnp.sum(dp_ref[...], axis=0) + 1.0
    or_ref[...] = lax.rsqrt(deg)[None, :]

  return pl.pallas_call(
      body,
      out_shape=jax.ShapeDtypeStruct((1, NP), jnp.float32),
  )(deg_parts)


def _pack_edges(edge_index):
  bl = EP // 10

  def body(e_ref, o_ref):
    i = pl.program_id(0)
    gid = lax.broadcasted_iota(jnp.int32, (bl,), 0) + i * bl
    pk = jnp.bitwise_or(e_ref[0], jnp.left_shift(e_ref[1], 16))
    o_ref[...] = jnp.where(gid < E, pk, DUMMY << 16)

  return pl.pallas_call(
      body,
      grid=(10,),
      in_specs=[pl.BlockSpec((2, bl), lambda i: (0, i))],
      out_specs=pl.BlockSpec((bl,), lambda i: (i,)),
      out_shape=jax.ShapeDtypeStruct((EP,), jnp.int32),
  )(edge_index)


def _tc_scale_matmul_t(xt, wt, dinvr):
  dout, din = wt.shape

  def body(x_ref, w_ref, dv_ref, o_ref):
    h = jnp.dot(w_ref[...], x_ref[...], preferred_element_type=jnp.float32)
    o_ref[...] = h * dv_ref[...]

  return pl.pallas_call(
      body,
      grid=(8,),
      in_specs=[
          pl.BlockSpec((din, 1280), lambda i: (0, i)),
          pl.BlockSpec((dout, din), lambda i: (0, 0)),
          pl.BlockSpec((1, 1280), lambda i: (0, i)),
      ],
      out_specs=pl.BlockSpec((dout, 1280), lambda i: (0, i)),
      out_shape=jax.ShapeDtypeStruct((dout, NP), jnp.float32),
  )(xt, wt, dinvr)


def _tc_combine_relu_matmul_t(st, gt, dinvr, bc, wt):
  dout, din = wt.shape

  def body(st_ref, gt_ref, dv_ref, b_ref, w_ref, o_ref):
    a = (st_ref[...] + gt_ref[...]) * dv_ref[...] + b_ref[...]
    r = jnp.maximum(a, 0.0)
    h = jnp.dot(w_ref[...], r, preferred_element_type=jnp.float32)
    o_ref[...] = h * dv_ref[...]

  return pl.pallas_call(
      body,
      grid=(4,),
      in_specs=[
          pl.BlockSpec((din, 2560), lambda i: (0, i)),
          pl.BlockSpec((din, 2560), lambda i: (0, i)),
          pl.BlockSpec((1, 2560), lambda i: (0, i)),
          pl.BlockSpec((din, 1), lambda i: (0, 0)),
          pl.BlockSpec((dout, din), lambda i: (0, 0)),
      ],
      out_specs=pl.BlockSpec((dout, 2560), lambda i: (0, i)),
      out_shape=jax.ShapeDtypeStruct((dout, NP), jnp.float32),
  )(st, gt, dinvr, bc, wt)


def _tc_combine_logsoftmax_t(st, gt, dinvr, bc):
  d = gt.shape[0]

  def body(st_ref, gt_ref, dv_ref, b_ref, o_ref):
    o = (st_ref[...] + gt_ref[...]) * dv_ref[...] + b_ref[...]
    m = jnp.max(o, axis=0, keepdims=True)
    e = jnp.exp(o - m)
    lse = jnp.log(jnp.sum(e, axis=0, keepdims=True))
    o_ref[...] = jnp.transpose(o - m - lse)

  return pl.pallas_call(
      body,
      grid=(4,),
      in_specs=[
          pl.BlockSpec((d, 2560), lambda i: (0, i)),
          pl.BlockSpec((d, 2560), lambda i: (0, i)),
          pl.BlockSpec((1, 2560), lambda i: (0, i)),
          pl.BlockSpec((d, 1), lambda i: (0, 0)),
      ],
      out_specs=pl.BlockSpec((2560, d), lambda i: (i, 0)),
      out_shape=jax.ShapeDtypeStruct((N, d), jnp.float32),
  )(st, gt, dinvr, bc)


def kernel(x, edge_index, W1, b1, W2, b2):
  pk1 = _pack_edges(edge_index.astype(jnp.int32))

  dparts = _deg_parts(pk1)
  dinvr = _dinvr(dparts)

  g1t = _tc_scale_matmul_t(x.T, W1.T, dinvr)
  s1t = _edge_scatter_t(g1t, pk1)
  g2t = _tc_combine_relu_matmul_t(s1t, g1t, dinvr, b1.reshape(-1, 1), W2.T)
  s2t = _edge_scatter_t(g2t, pk1)
  return _tc_combine_logsoftmax_t(s2t, g2t, dinvr, b2.reshape(-1, 1))

# --- scband reference (transcript-rebuilt; emitter-appended) ---
"""Pipeline reference for scband-gcnmodel-with-focal-loss-6090263626384 (READ-ONLY COPY).

The authoritative reference and input builder live on the scoring server;
editing this copy changes nothing except your own understanding.
"""

import jax, jax.numpy as jnp
import numpy as np

N_NODES = 10000
N_EDGES = 320000
D_IN = 128
D_HID = 128
D_OUT = 64


def setup_inputs(seed: int = 0) -> dict:
    key = jax.random.key(seed)
    k1, k2, k3, k4, k5, k6 = jax.random.split(key, 6)
    x = jax.random.normal(k1, (N_NODES, D_IN), dtype=jnp.float32)
    edge_index = jax.random.randint(k2, (2, N_EDGES), 0, N_NODES, dtype=jnp.int64)
    s1 = 1.0 / np.sqrt(D_IN)
    s2 = 1.0 / np.sqrt(D_HID)
    W1 = jax.random.uniform(k3, (D_IN, D_HID), dtype=jnp.float32, minval=-s1, maxval=s1)
    b1 = jax.random.uniform(k4, (D_HID,), dtype=jnp.float32, minval=-s1, maxval=s1)
    W2 = jax.random.uniform(k5, (D_HID, D_OUT), dtype=jnp.float32, minval=-s2, maxval=s2)
    b2 = jax.random.uniform(k6, (D_OUT,), dtype=jnp.float32, minval=-s2, maxval=s2)
    return {"x": x, "edge_index": edge_index, "W1": W1, "b1": b1, "W2": W2, "b2": b2}


def _gcn_conv(x, edge_index, W, b):
    # PyG GCNConv: add self-loops, symmetric normalization D^-1/2 (A+I) D^-1/2 x W + b
    N = x.shape[0]
    loops = jnp.arange(N, dtype=edge_index.dtype)
    src = jnp.concatenate([edge_index[0], loops])
    dst = jnp.concatenate([edge_index[1], loops])
    deg = jnp.zeros((N,), dtype=x.dtype).at[dst].add(1.0)
    deg_inv_sqrt = jnp.where(deg > 0, jax.lax.rsqrt(jnp.maximum(deg, 1e-12)), 0.0)
    norm = deg_inv_sqrt[src] * deg_inv_sqrt[dst]
    h = x @ W
    msg = h[src] * norm[:, None]
    out = jnp.zeros((N, W.shape[1]), dtype=x.dtype).at[dst].add(msg)
    return out + b


def reference(x, edge_index, W1, b1, W2, b2):
    h = _gcn_conv(x, edge_index, W1, b1)
    h = jax.nn.relu(h)
    out = _gcn_conv(h, edge_index, W2, b2)
    return jax.nn.log_softmax(out, axis=1)

if __name__ == "__main__":
    import jax
    _d = setup_inputs()
    print(jax.jit(kernel)(*tuple(_d.values())))

</pallas_src>

<mosaic_0001>
#map = affine_map<(d0, d1) -> (0, 0)>
#map1 = affine_map<(d0, d1) -> (0)>
module attributes {stable_mosaic.version = 14 : i64} {
  func.func @k(%arg0: i32, %arg1: i32, %arg2: memref<128x10240xf32, #tpu.memory_space<hbm>>, %arg3: memref<327680xi32, #tpu.memory_space<hbm>>, %arg4: memref<128x10240xf32, #tpu.memory_space<hbm>>, %arg5: memref<5120xi32, #tpu.memory_space<vmem>>, %arg6: memref<5120xi32, #tpu.memory_space<vmem>>, %arg7: memref<4x10240xf32, #tpu.memory_space<vmem>>, %arg8: memref<4x10240xf32, #tpu.memory_space<vmem>>, %arg9: memref<!tpu.dma_semaphore, #tpu.memory_space<semaphore_mem>>, %arg10: memref<!tpu.dma_semaphore, #tpu.memory_space<semaphore_mem>>) attributes {dimension_semantics = [#tpu.dimension_semantics<core_parallel>, #tpu.dimension_semantics<subcore_parallel>], iteration_bounds = array<i64: 2, 16>, scalar_prefetch = 0 : i64, scratch_operands = 6 : i64, tpu.core_type = #tpu.core_type<sc_vector_subcore>, window_params = [{transform_indices = #map}, {transform_indices = #map1}, {transform_indices = #map}]} {
    %mul3A = arith.constant 16 : i32
    %mul3A_0 = arith.muli %arg0, %mul3A : i32
    %add3A = arith.addi %mul3A_0, %arg1 : i32
    %mul3A_1 = arith.constant 4 : i32
    %mul3A_2 = arith.muli %add3A, %mul3A_1 : i32
    "tpu.region"() ({
      %run_scoped3A = tpu.sem_alloc : memref<!tpu.dma_semaphore, #tpu.memory_space<semaphore_mem>>
      %dma_start3A_31 = arith.constant 0 : i32
      %dma_start3A_32 = tpu.memref_slice %arg2[%mul3A_2, %dma_start3A_31] : memref<128x10240xf32, #tpu.memory_space<hbm>> -> memref<4x10240xf32, #tpu.memory_space<hbm>>
      %dma_start3A_33 = arith.constant 0 : i32
      %dma_start3A_34 = tpu.memref_slice %arg2[%mul3A_2, %dma_start3A_33] : memref<128x10240xf32, #tpu.memory_space<hbm>> -> memref<4x10240xf32, #tpu.memory_space<hbm>>
      tpu.enqueue_dma source(%dma_start3A_34 : memref<4x10240xf32, #tpu.memory_space<hbm>>) target(%arg7 : memref<4x10240xf32, #tpu.memory_space<vmem>>) target_semaphore(%run_scoped3A : memref<!tpu.dma_semaphore, #tpu.memory_space<semaphore_mem>>)
      %dma_wait3A_35 = arith.constant 0 : i32
      %dma_wait3A_36 = tpu.memref_slice %arg2[%mul3A_2, %dma_wait3A_35] : memref<128x10240xf32, #tpu.memory_space<hbm>> -> memref<4x10240xf32, #tpu.memory_space<hbm>>
      %dma_wait3A_37 = arith.constant 0 : i32
      %dma_wait3A_38 = tpu.memref_slice %arg2[%mul3A_2, %dma_wait3A_37] : memref<128x10240xf32, #tpu.memory_space<hbm>> -> memref<4x10240xf32, #tpu.memory_space<hbm>>
      tpu.wait_dma2 semaphore(%run_scoped3A : memref<!tpu.dma_semaphore, #tpu.memory_space<semaphore_mem>>) src(%dma_wait3A_38 : memref<4x10240xf32, #tpu.memory_space<hbm>>) dst(%arg7 : memref<4x10240xf32, #tpu.memory_space<vmem>>)
      tpu.yield
    }) : () -> ()
    %broadcast_in_dim3A = arith.constant 0.000000e+00 : f32
    %broadcast_in_dim3A_3 = vector.broadcast %broadcast_in_dim3A : f32 to vector<16xf32>
    %scan3A = arith.constant 0 : i32
    %scan3A_4 = arith.constant 0 : i32
    %scan3A_5 = arith.constant 640 : i32
    %scan3A_6 = arith.addi %scan3A_4, %scan3A_5 : i32
    %scan3A_7 = arith.constant 1 : i32
    scf.for %scan3A_31 = %scan3A_4 to %scan3A_6 step %scan3A_7  : i32 {
      %mul3A_32 = arith.constant 16 : i32
      %mul3A_33 = arith.muli %scan3A_31, %mul3A_32 : i32
      %swap3A = arith.constant 0 : i32
      %swap3A_34 = arith.index_cast %swap3A : i32 to index
      %swap3A_35 = arith.index_cast %mul3A_33 : i32 to index
      %swap3A_36 = tpu.vector_load %arg8[%swap3A_34, %swap3A_35] {strides = array<i32>} : memref<4x10240xf32, #tpu.memory_space<vmem>>, vector<16xf32>,
      tpu.vector_store %arg8[%swap3A_34, %swap3A_35], %broadcast_in_dim3A_3 {strides = array<i32>} : memref<4x10240xf32, #tpu.memory_space<vmem>>, vector<16xf32>,
      %mul3A_37 = arith.constant 16 : i32
      %mul3A_38 = arith.muli %scan3A_31, %mul3A_37 : i32
      %swap3A_39 = arith.constant 1 : i32
      %swap3A_40 = arith.index_cast %swap3A_39 : i32 to index
      %swap3A_41 = arith.index_cast %mul3A_38 : i32 to index
      %swap3A_42 = tpu.vector_load %arg8[%swap3A_40, %swap3A_41] {strides = array<i32>} : memref<4x10240xf32, #tpu.memory_space<vmem>>, vector<16xf32>,
      tpu.vector_store %arg8[%swap3A_40, %swap3A_41], %broadcast_in_dim3A_3 {strides = array<i32>} : memref<4x10240xf32, #tpu.memory_space<vmem>>, vector<16xf32>,
      %mul3A_43 = arith.constant 16 : i32
      %mul3A_44 = arith.muli %scan3A_31, %mul3A_43 : i32
      %swap3A_45 = arith.constant 2 : i32
      %swap3A_46 = arith.index_cast %swap3A_45 : i32 to index
      %swap3A_47 = arith.index_cast %mul3A_44 : i32 to index
      %swap3A_48 = tpu.vector_load %arg8[%swap3A_46, %swap3A_47] {strides = array<i32>} : memref<4x10240xf32, #tpu.memory_space<vmem>>, vector<16xf32>,
      tpu.vector_store %arg8[%swap3A_46, %swap3A_47], %broadcast_in_dim3A_3 {strides = array<i32>} : memref<4x10240xf32, #tpu.memory_space<vmem>>, vector<16xf32>,
      %mul3A_49 = arith.constant 16 : i32
      %mul3A_50 = arith.muli %scan3A_31, %mul3A_49 : i32
      %swap3A_51 = arith.constant 3 : i32
      %swap3A_52 = arith.index_cast %swap3A_51 : i32 to index
      %swap3A_53 = arith.index_cast %mul3A_50 : i32 to index
      %swap3A_54 = tpu.vector_load %arg8[%swap3A_52, %swap3A_53] {strides = array<i32>} : memref<4x10240xf32, #tpu.memory_space<vmem>>, vector<16xf32>,
      tpu.vector_store %arg8[%swap3A_52, %swap3A_53], %broadcast_in_dim3A_3 {strides = array<i32>} : memref<4x10240xf32, #tpu.memory_space<vmem>>, vector<16xf32>,
    }
    %scan3A_8 = arith.constant 640 : i32
    %broadcast_in_dim3A_9 = arith.constant 65535 : i32
    %broadcast_in_dim3A_10 = vector.broadcast %broadcast_in_dim3A_9 : i32 to vector<16xi32>
    %dma_start3A = arith.constant 0 : i32
    %dma_start3A_11 = tpu.memref_slice %arg3[%dma_start3A] : memref<327680xi32, #tpu.memory_space<hbm>> -> memref<5120xi32, #tpu.memory_space<hbm>>
    %dma_start3A_12 = arith.constant 0 : i32
    %dma_start3A_13 = tpu.memref_slice %arg3[%dma_start3A_12] : memref<327680xi32, #tpu.memory_space<hbm>> -> memref<5120xi32, #tpu.memory_space<hbm>>
    tpu.enqueue_dma source(%dma_start3A_13 : memref<5120xi32, #tpu.memory_space<hbm>>) target(%arg5 : memref<5120xi32, #tpu.memory_space<vmem>>) target_semaphore(%arg9 : memref<!tpu.dma_semaphore, #tpu.memory_space<semaphore_mem>>)
    %dma_start3A_14 = arith.constant 5120 : i32
    %dma_start3A_15 = tpu.memref_slice %arg3[%dma_start3A_14] : memref<327680xi32, #tpu.memory_space<hbm>> -> memref<5120xi32, #tpu.memory_space<hbm>>
    %dma_start3A_16 = arith.constant 5120 : i32
    %dma_start3A_17 = tpu.memref_slice %arg3[%dma_start3A_16] : memref<327680xi32, #tpu.memory_space<hbm>> -> memref<5120xi32, #tpu.memory_space<hbm>>
    tpu.enqueue_dma source(%dma_start3A_17 : memref<5120xi32, #tpu.memory_space<hbm>>) target(%arg6 : memref<5120xi32, #tpu.memory_space<vmem>>) target_semaphore(%arg10 : memref<!tpu.dma_semaphore, #tpu.memory_space<semaphore_mem>>)
    %scan3A_18 = arith.constant 0 : i32
    %scan3A_19 = arith.constant 0 : i32
    %scan3A_20 = arith.constant 32 : i32
    %scan3A_21 = arith.addi %scan3A_19, %scan3A_20 : i32
    %scan3A_22 = arith.constant 1 : i32
    scf.for %scan3A_31 = %scan3A_19 to %scan3A_21 step %scan3A_22  : i32 {
      %mul3A_32 = arith.constant 2 : i32
      %mul3A_33 = arith.muli %mul3A_32, %scan3A_31 : i32
      %mul3A_34 = arith.constant 2 : i32
      %mul3A_35 = arith.muli %mul3A_34, %scan3A_31 : i32
      %add3A_36 = arith.constant 1 : i32
      %add3A_37 = arith.addi %mul3A_35, %add3A_36 : i32
      %dma_wait3A_38 = arith.constant 0 : i32
      %dma_wait3A_39 = tpu.memref_slice %arg3[%dma_wait3A_38] : memref<327680xi32, #tpu.memory_space<hbm>> -> memref<5120xi32, #tpu.memory_space<hbm>>
      %dma_wait3A_40 = arith.constant 0 : i32
      %dma_wait3A_41 = tpu.memref_slice %arg3[%dma_wait3A_40] : memref<327680xi32, #tpu.memory_space<hbm>> -> memref<5120xi32, #tpu.memory_space<hbm>>
      tpu.wait_dma2 semaphore(%arg9 : memref<!tpu.dma_semaphore, #tpu.memory_space<semaphore_mem>>) src(%dma_wait3A_41 : memref<5120xi32, #tpu.memory_space<hbm>>) dst(%arg5 : memref<5120xi32, #tpu.memory_space<vmem>>)
      %broadcast_in_dim3A_42 = arith.constant 0 : i32
      %broadcast_in_dim3A_43 = vector.broadcast %broadcast_in_dim3A_42 : i32 to vector<16xi32>
      %broadcast_in_dim3A_44 = arith.constant 1 : i32
      %broadcast_in_dim3A_45 = vector.broadcast %broadcast_in_dim3A_44 : i32 to vector<16xi32>
      %broadcast_in_dim3A_46 = arith.constant 2 : i32
      %broadcast_in_dim3A_47 = vector.broadcast %broadcast_in_dim3A_46 : i32 to vector<16xi32>
      %broadcast_in_dim3A_48 = arith.constant 3 : i32
      %broadcast_in_dim3A_49 = vector.broadcast %broadcast_in_dim3A_48 : i32 to vector<16xi32>
      %parallel_loop3A = arith.constant 0 : i32
      %parallel_loop3A_50 = arith.constant 320 : i32
      %parallel_loop3A_51 = arith.constant 1 : i32
      scf.for %parallel_loop3A_82 = %parallel_loop3A to %parallel_loop3A_50 step %parallel_loop3A_51  : i32 {
        %parallel_loop3A_83 = arith.constant 16 : i32
        %parallel_loop3A_84 = arith.muli %parallel_loop3A_82, %parallel_loop3A_83 : i32
        %parallel_loop3A_85 = arith.index_cast %parallel_loop3A_84 : i32 to index
        %parallel_loop3A_86 = tpu.vector_load %arg5[%parallel_loop3A_85] {strides = array<i32>} : memref<5120xi32, #tpu.memory_space<vmem>>, vector<16xi32>,
        %parallel_loop3A_87 = arith.andi %parallel_loop3A_86, %broadcast_in_dim3A_10 : vector<16xi32>
        %parallel_loop3A_88 = arith.constant 16 : i32
        %parallel_loop3A_89 = vector.broadcast %parallel_loop3A_88 : i32 to vector<16xi32>
        %parallel_loop3A_90 = arith.shrui %parallel_loop3A_86, %parallel_loop3A_89 : vector<16xi32>
        %parallel_loop3A_91 = tpu.vector_load_idx %arg7[%broadcast_in_dim3A_43, %parallel_loop3A_87] : memref<4x10240xf32, #tpu.memory_space<vmem>>[vector<16xi32>, vector<16xi32>], vector<16xf32>,
        tpu.vector_store_idx %arg8[%broadcast_in_dim3A_43, %parallel_loop3A_90], %parallel_loop3A_91 {add = true} : memref<4x10240xf32, #tpu.memory_space<vmem>>[vector<16xi32>, vector<16xi32>], vector<16xf32>,
        %parallel_loop3A_92 = tpu.vector_load_idx %arg7[%broadcast_in_dim3A_45, %parallel_loop3A_87] : memref<4x10240xf32, #tpu.memory_space<vmem>>[vector<16xi32>, vector<16xi32>], vector<16xf32>,
        tpu.vector_store_idx %arg8[%broadcast_in_dim3A_45, %parallel_loop3A_90], %parallel_loop3A_92 {add = true} : memref<4x10240xf32, #tpu.memory_space<vmem>>[vector<16xi32>, vector<16xi32>], vector<16xf32>,
        %parallel_loop3A_93 = tpu.vector_load_idx %arg7[%broadcast_in_dim3A_47, %parallel_loop3A_87] : memref<4x10240xf32, #tpu.memory_space<vmem>>[vector<16xi32>, vector<16xi32>], vector<16xf32>,
        tpu.vector_store_idx %arg8[%broadcast_in_dim3A_47, %parallel_loop3A_90], %parallel_loop3A_93 {add = true} : memref<4x10240xf32, #tpu.memory_space<vmem>>[vector<16xi32>, vector<16xi32>], vector<16xf32>,
        %parallel_loop3A_94 = tpu.vector_load_idx %arg7[%broadcast_in_dim3A_49, %parallel_loop3A_87] : memref<4x10240xf32, #tpu.memory_space<vmem>>[vector<16xi32>, vector<16xi32>], vector<16xf32>,
        tpu.vector_store_idx %arg8[%broadcast_in_dim3A_49, %parallel_loop3A_90], %parallel_loop3A_94 {add = true} : memref<4x10240xf32, #tpu.memory_space<vmem>>[vector<16xi32>, vector<16xi32>], vector<16xf32>,
      } {sc.loop_unroll_factor = 4 : i64, sc.parallel_access}
      %add3A_52 = arith.constant 2 : i32
      %add3A_53 = arith.addi %mul3A_33, %add3A_52 : i32
      %min3A = arith.constant 62 : i32
      %min3A_54 = arith.minsi %add3A_53, %min3A : i32
      %mul3A_55 = arith.constant 5120 : i32
      %mul3A_56 = arith.muli %min3A_54, %mul3A_55 : i32
      %dma_start3A_57 = tpu.memref_slice %arg3[%mul3A_56] : memref<327680xi32, #tpu.memory_space<hbm>> -> memref<5120xi32, #tpu.memory_space<hbm>>
      %dma_start3A_58 = tpu.memref_slice %arg3[%mul3A_56] : memref<327680xi32, #tpu.memory_space<hbm>> -> memref<5120xi32, #tpu.memory_space<hbm>>
      tpu.enqueue_dma source(%dma_start3A_58 : memref<5120xi32, #tpu.memory_space<hbm>>) target(%arg5 : memref<5120xi32, #tpu.memory_space<vmem>>) target_semaphore(%arg9 : memref<!tpu.dma_semaphore, #tpu.memory_space<semaphore_mem>>)
      %dma_wait3A_59 = arith.constant 0 : i32
      %dma_wait3A_60 = tpu.memref_slice %arg3[%dma_wait3A_59] : memref<327680xi32, #tpu.memory_space<hbm>> -> memref<5120xi32, #tpu.memory_space<hbm>>
      %dma_wait3A_61 = arith.constant 0 : i32
      %dma_wait3A_62 = tpu.memref_slice %arg3[%dma_wait3A_61] : memref<327680xi32, #tpu.memory_space<hbm>> -> memref<5120xi32, #tpu.memory_space<hbm>>
      tpu.wait_dma2 semaphore(%arg10 : memref<!tpu.dma_semaphore, #tpu.memory_space<semaphore_mem>>) src(%dma_wait3A_62 : memref<5120xi32, #tpu.memory_space<hbm>>) dst(%arg6 : memref<5120xi32, #tpu.memory_space<vmem>>)
      %broadcast_in_dim3A_63 = arith.constant 0 : i32
      %broadcast_in_dim3A_64 = vector.broadcast %broadcast_in_dim3A_63 : i32 to vector<16xi32>
      %broadcast_in_dim3A_65 = arith.constant 1 : i32
      %broadcast_in_dim3A_66 = vector.broadcast %broadcast_in_dim3A_65 : i32 to vector<16xi32>
      %broadcast_in_dim3A_67 = arith.constant 2 : i32
      %broadcast_in_dim3A_68 = vector.broadcast %broadcast_in_dim3A_67 : i32 to vector<16xi32>
      %broadcast_in_dim3A_69 = arith.constant 3 : i32
      %broadcast_in_dim3A_70 = vector.broadcast %broadcast_in_dim3A_69 : i32 to vector<16xi32>
      %parallel_loop3A_71 = arith.constant 0 : i32
      %parallel_loop3A_72 = arith.constant 320 : i32
      %parallel_loop3A_73 = arith.constant 1 : i32
      scf.for %parallel_loop3A_82 = %parallel_loop3A_71 to %parallel_loop3A_72 step %parallel_loop3A_73  : i32 {
        %parallel_loop3A_83 = arith.constant 16 : i32
        %parallel_loop3A_84 = arith.muli %parallel_loop3A_82, %parallel_loop3A_83 : i32
        %parallel_loop3A_85 = arith.index_cast %parallel_loop3A_84 : i32 to index
        %parallel_loop3A_86 = tpu.vector_load %arg6[%parallel_loop3A_85] {strides = array<i32>} : memref<5120xi32, #tpu.memory_space<vmem>>, vector<16xi32>,
        %parallel_loop3A_87 = arith.andi %parallel_loop3A_86, %broadcast_in_dim3A_10 : vector<16xi32>
        %parallel_loop3A_88 = arith.constant 16 : i32
        %parallel_loop3A_89 = vector.broadcast %parallel_loop3A_88 : i32 to vector<16xi32>
        %parallel_loop3A_90 = arith.shrui %parallel_loop3A_86, %parallel_loop3A_89 : vector<16xi32>
        %parallel_loop3A_91 = tpu.vector_load_idx %arg7[%broadcast_in_dim3A_64, %parallel_loop3A_87] : memref<4x10240xf32, #tpu.memory_space<vmem>>[vector<16xi32>, vector<16xi32>], vector<16xf32>,
        tpu.vector_store_idx %arg8[%broadcast_in_dim3A_64, %parallel_loop3A_90], %parallel_loop3A_91 {add = true} : memref<4x10240xf32, #tpu.memory_space<vmem>>[vector<16xi32>, vector<16xi32>], vector<16xf32>,
        %parallel_loop3A_92 = tpu.vector_load_idx %arg7[%broadcast_in_dim3A_66, %parallel_loop3A_87] : memref<4x10240xf32, #tpu.memory_space<vmem>>[vector<16xi32>, vector<16xi32>], vector<16xf32>,
        tpu.vector_store_idx %arg8[%broadcast_in_dim3A_66, %parallel_loop3A_90], %parallel_loop3A_92 {add = true} : memref<4x10240xf32, #tpu.memory_space<vmem>>[vector<16xi32>, vector<16xi32>], vector<16xf32>,
        %parallel_loop3A_93 = tpu.vector_load_idx %arg7[%broadcast_in_dim3A_68, %parallel_loop3A_87] : memref<4x10240xf32, #tpu.memory_space<vmem>>[vector<16xi32>, vector<16xi32>], vector<16xf32>,
        tpu.vector_store_idx %arg8[%broadcast_in_dim3A_68, %parallel_loop3A_90], %parallel_loop3A_93 {add = true} : memref<4x10240xf32, #tpu.memory_space<vmem>>[vector<16xi32>, vector<16xi32>], vector<16xf32>,
        %parallel_loop3A_94 = tpu.vector_load_idx %arg7[%broadcast_in_dim3A_70, %parallel_loop3A_87] : memref<4x10240xf32, #tpu.memory_space<vmem>>[vector<16xi32>, vector<16xi32>], vector<16xf32>,
        tpu.vector_store_idx %arg8[%broadcast_in_dim3A_70, %parallel_loop3A_90], %parallel_loop3A_94 {add = true} : memref<4x10240xf32, #tpu.memory_space<vmem>>[vector<16xi32>, vector<16xi32>], vector<16xf32>,
      } {sc.loop_unroll_factor = 4 : i64, sc.parallel_access}
      %add3A_74 = arith.constant 2 : i32
      %add3A_75 = arith.addi %add3A_37, %add3A_74 : i32
      %min3A_76 = arith.constant 63 : i32
      %min3A_77 = arith.minsi %add3A_75, %min3A_76 : i32
      %mul3A_78 = arith.constant 5120 : i32
      %mul3A_79 = arith.muli %min3A_77, %mul3A_78 : i32
      %dma_start3A_80 = tpu.memref_slice %arg3[%mul3A_79] : memref<327680xi32, #tpu.memory_space<hbm>> -> memref<5120xi32, #tpu.memory_space<hbm>>
      %dma_start3A_81 = tpu.memref_slice %arg3[%mul3A_79] : memref<327680xi32, #tpu.memory_space<hbm>> -> memref<5120xi32, #tpu.memory_space<hbm>>
      tpu.enqueue_dma source(%dma_start3A_81 : memref<5120xi32, #tpu.memory_space<hbm>>) target(%arg6 : memref<5120xi32, #tpu.memory_space<vmem>>) target_semaphore(%arg10 : memref<!tpu.dma_semaphore, #tpu.memory_space<semaphore_mem>>)
    }
    %scan3A_23 = arith.constant 32 : i32
    %dma_wait3A = arith.constant 0 : i32
    %dma_wait3A_24 = tpu.memref_slice %arg3[%dma_wait3A] : memref<327680xi32, #tpu.memory_space<hbm>> -> memref<5120xi32, #tpu.memory_space<hbm>>
    %dma_wait3A_25 = arith.constant 0 : i32
    %dma_wait3A_26 = tpu.memref_slice %arg3[%dma_wait3A_25] : memref<327680xi32, #tpu.memory_space<hbm>> -> memref<5120xi32, #tpu.memory_space<hbm>>
    tpu.wait_dma2 semaphore(%arg9 : memref<!tpu.dma_semaphore, #tpu.memory_space<semaphore_mem>>) src(%dma_wait3A_26 : memref<5120xi32, #tpu.memory_space<hbm>>) dst(%arg5 : memref<5120xi32, #tpu.memory_space<vmem>>)
    %dma_wait3A_27 = arith.constant 0 : i32
    %dma_wait3A_28 = tpu.memref_slice %arg3[%dma_wait3A_27] : memref<327680xi32, #tpu.memory_space<hbm>> -> memref<5120xi32, #tpu.memory_space<hbm>>
    %dma_wait3A_29 = arith.constant 0 : i32
    %dma_wait3A_30 = tpu.memref_slice %arg3[%dma_wait3A_29] : memref<327680xi32, #tpu.memory_space<hbm>> -> memref<5120xi32, #tpu.memory_space<hbm>>
    tpu.wait_dma2 semaphore(%arg10 : memref<!tpu.dma_semaphore, #tpu.memory_space<semaphore_mem>>) src(%dma_wait3A_30 : memref<5120xi32, #tpu.memory_space<hbm>>) dst(%arg6 : memref<5120xi32, #tpu.memory_space<vmem>>)
    "tpu.region"() ({
      %run_scoped3A = tpu.sem_alloc : memref<!tpu.dma_semaphore, #tpu.memory_space<semaphore_mem>>
      %dma_start3A_31 = arith.constant 0 : i32
      %dma_start3A_32 = tpu.memref_slice %arg4[%mul3A_2, %dma_start3A_31] : memref<128x10240xf32, #tpu.memory_space<hbm>> -> memref<4x10240xf32, #tpu.memory_space<hbm>>
      %dma_start3A_33 = arith.constant 0 : i32
      %dma_start3A_34 = tpu.memref_slice %arg4[%mul3A_2, %dma_start3A_33] : memref<128x10240xf32, #tpu.memory_space<hbm>> -> memref<4x10240xf32, #tpu.memory_space<hbm>>
      tpu.enqueue_dma source(%arg8 : memref<4x10240xf32, #tpu.memory_space<vmem>>) target(%dma_start3A_34 : memref<4x10240xf32, #tpu.memory_space<hbm>>) target_semaphore(%run_scoped3A : memref<!tpu.dma_semaphore, #tpu.memory_space<semaphore_mem>>)
      %dma_wait3A_35 = arith.constant 0 : i32
      %dma_wait3A_36 = tpu.memref_slice %arg4[%mul3A_2, %dma_wait3A_35] : memref<128x10240xf32, #tpu.memory_space<hbm>> -> memref<4x10240xf32, #tpu.memory_space<hbm>>
      %dma_wait3A_37 = arith.constant 0 : i32
      %dma_wait3A_38 = tpu.memref_slice %arg4[%mul3A_2, %dma_wait3A_37] : memref<128x10240xf32, #tpu.memory_space<hbm>> -> memref<4x10240xf32, #tpu.memory_space<hbm>>
      tpu.wait_dma2 semaphore(%run_scoped3A : memref<!tpu.dma_semaphore, #tpu.memory_space<semaphore_mem>>) src(%arg8 : memref<4x10240xf32, #tpu.memory_space<vmem>>) dst(%dma_wait3A_38 : memref<4x10240xf32, #tpu.memory_space<hbm>>)
      tpu.yield
    }) : () -> ()
    return
  }
}

#map = affine_map<(d0, d1) -> (0, 0)>
#map1 = affine_map<(d0, d1) -> (0)>
module attributes {stable_mosaic.version = 14 : i64} {
  func.func @k(%arg0: i32, %arg1: i32, %arg2: memref<64x10240xf32, #tpu.memory_space<hbm>>, %arg3: memref<327680xi32, #tpu.memory_space<hbm>>, %arg4: memref<64x10240xf32, #tpu.memory_space<hbm>>, %arg5: memref<5120xi32, #tpu.memory_space<vmem>>, %arg6: memref<5120xi32, #tpu.memory_space<vmem>>, %arg7: memref<2x10240xf32, #tpu.memory_space<vmem>>, %arg8: memref<2x10240xf32, #tpu.memory_space<vmem>>, %arg9: memref<!tpu.dma_semaphore, #tpu.memory_space<semaphore_mem>>, %arg10: memref<!tpu.dma_semaphore, #tpu.memory_space<semaphore_mem>>) attributes {dimension_semantics = [#tpu.dimension_semantics<core_parallel>, #tpu.dimension_semantics<subcore_parallel>], iteration_bounds = array<i64: 2, 16>, scalar_prefetch = 0 : i64, scratch_operands = 6 : i64, tpu.core_type = #tpu.core_type<sc_vector_subcore>, window_params = [{transform_indices = #map}, {transform_indices = #map1}, {transform_indices = #map}]} {
    %mul3A = arith.constant 16 : i32
    %mul3A_0 = arith.muli %arg0, %mul3A : i32
    %add3A = arith.addi %mul3A_0, %arg1 : i32
    %mul3A_1 = arith.constant 2 : i32
    %mul3A_2 = arith.muli %add3A, %mul3A_1 : i32
    "tpu.region"() ({
      %run_scoped3A = tpu.sem_alloc : memref<!tpu.dma_semaphore, #tpu.memory_space<semaphore_mem>>
      %dma_start3A_31 = arith.constant 0 : i32
      %dma_start3A_32 = tpu.memref_slice %arg2[%mul3A_2, %dma_start3A_31] : memref<64x10240xf32, #tpu.memory_space<hbm>> -> memref<2x10240xf32, #tpu.memory_space<hbm>>
      %dma_start3A_33 = arith.constant 0 : i32
      %dma_start3A_34 = tpu.memref_slice %arg2[%mul3A_2, %dma_start3A_33] : memref<64x10240xf32, #tpu.memory_space<hbm>> -> memref<2x10240xf32, #tpu.memory_space<hbm>>
      tpu.enqueue_dma source(%dma_start3A_34 : memref<2x10240xf32, #tpu.memory_space<hbm>>) target(%arg7 : memref<2x10240xf32, #tpu.memory_space<vmem>>) target_semaphore(%run_scoped3A : memref<!tpu.dma_semaphore, #tpu.memory_space<semaphore_mem>>)
      %dma_wait3A_35 = arith.constant 0 : i32
      %dma_wait3A_36 = tpu.memref_slice %arg2[%mul3A_2, %dma_wait3A_35] : memref<64x10240xf32, #tpu.memory_space<hbm>> -> memref<2x10240xf32, #tpu.memory_space<hbm>>
      %dma_wait3A_37 = arith.constant 0 : i32
      %dma_wait3A_38 = tpu.memref_slice %arg2[%mul3A_2, %dma_wait3A_37] : memref<64x10240xf32, #tpu.memory_space<hbm>> -> memref<2x10240xf32, #tpu.memory_space<hbm>>
      tpu.wait_dma2 semaphore(%run_scoped3A : memref<!tpu.dma_semaphore, #tpu.memory_space<semaphore_mem>>) src(%dma_wait3A_38 : memref<2x10240xf32, #tpu.memory_space<hbm>>) dst(%arg7 : memref<2x10240xf32, #tpu.memory_space<vmem>>)
      tpu.yield
    }) : () -> ()
    %broadcast_in_dim3A = arith.constant 0.000000e+00 : f32
    %broadcast_in_dim3A_3 = vector.broadcast %broadcast_in_dim3A : f32 to vector<16xf32>
    %scan3A = arith.constant 0 : i32
    %scan3A_4 = arith.constant 0 : i32
    %scan3A_5 = arith.constant 640 : i32
    %scan3A_6 = arith.addi %scan3A_4, %scan3A_5 : i32
    %scan3A_7 = arith.constant 1 : i32
    scf.for %scan3A_31 = %scan3A_4 to %scan3A_6 step %scan3A_7  : i32 {
      %mul3A_32 = arith.constant 16 : i32
      %mul3A_33 = arith.muli %scan3A_31, %mul3A_32 : i32
      %swap3A = arith.constant 0 : i32
      %swap3A_34 = arith.index_cast %swap3A : i32 to index
      %swap3A_35 = arith.index_cast %mul3A_33 : i32 to index
      %swap3A_36 = tpu.vector_load %arg8[%swap3A_34, %swap3A_35] {strides = array<i32>} : memref<2x10240xf32, #tpu.memory_space<vmem>>, vector<16xf32>,
      tpu.vector_store %arg8[%swap3A_34, %swap3A_35], %broadcast_in_dim3A_3 {strides = array<i32>} : memref<2x10240xf32, #tpu.memory_space<vmem>>, vector<16xf32>,
      %mul3A_37 = arith.constant 16 : i32
      %mul3A_38 = arith.muli %scan3A_31, %mul3A_37 : i32
      %swap3A_39 = arith.constant 1 : i32
      %swap3A_40 = arith.index_cast %swap3A_39 : i32 to index
      %swap3A_41 = arith.index_cast %mul3A_38 : i32 to index
      %swap3A_42 = tpu.vector_load %arg8[%swap3A_40, %swap3A_41] {strides = array<i32>} : memref<2x10240xf32, #tpu.memory_space<vmem>>, vector<16xf32>,
      tpu.vector_store %arg8[%swap3A_40, %swap3A_41], %broadcast_in_dim3A_3 {strides = array<i32>} : memref<2x10240xf32, #tpu.memory_space<vmem>>, vector<16xf32>,
    }
    %scan3A_8 = arith.constant 640 : i32
    %broadcast_in_dim3A_9 = arith.constant 65535 : i32
    %broadcast_in_dim3A_10 = vector.broadcast %broadcast_in_dim3A_9 : i32 to vector<16xi32>
    %dma_start3A = arith.constant 0 : i32
    %dma_start3A_11 = tpu.memref_slice %arg3[%dma_start3A] : memref<327680xi32, #tpu.memory_space<hbm>> -> memref<5120xi32, #tpu.memory_space<hbm>>
    %dma_start3A_12 = arith.constant 0 : i32
    %dma_start3A_13 = tpu.memref_slice %arg3[%dma_start3A_12] : memref<327680xi32, #tpu.memory_space<hbm>> -> memref<5120xi32, #tpu.memory_space<hbm>>
    tpu.enqueue_dma source(%dma_start3A_13 : memref<5120xi32, #tpu.memory_space<hbm>>) target(%arg5 : memref<5120xi32, #tpu.memory_space<vmem>>) target_semaphore(%arg9 : memref<!tpu.dma_semaphore, #tpu.memory_space<semaphore_mem>>)
    %dma_start3A_14 = arith.constant 5120 : i32
    %dma_start3A_15 = tpu.memref_slice %arg3[%dma_start3A_14] : memref<327680xi32, #tpu.memory_space<hbm>> -> memref<5120xi32, #tpu.memory_space<hbm>>
    %dma_start3A_16 = arith.constant 5120 : i32
    %dma_start3A_17 = tpu.memref_slice %arg3[%dma_start3A_16] : memref<327680xi32, #tpu.memory_space<hbm>> -> memref<5120xi32, #tpu.memory_space<hbm>>
    tpu.enqueue_dma source(%dma_start3A_17 : memref<5120xi32, #tpu.memory_space<hbm>>) target(%arg6 : memref<5120xi32, #tpu.memory_space<vmem>>) target_semaphore(%arg10 : memref<!tpu.dma_semaphore, #tpu.memory_space<semaphore_mem>>)
    %scan3A_18 = arith.constant 0 : i32
    %scan3A_19 = arith.constant 0 : i32
    %scan3A_20 = arith.constant 32 : i32
    %scan3A_21 = arith.addi %scan3A_19, %scan3A_20 : i32
    %scan3A_22 = arith.constant 1 : i32
    scf.for %scan3A_31 = %scan3A_19 to %scan3A_21 step %scan3A_22  : i32 {
      %mul3A_32 = arith.constant 2 : i32
      %mul3A_33 = arith.muli %mul3A_32, %scan3A_31 : i32
      %mul3A_34 = arith.constant 2 : i32
      %mul3A_35 = arith.muli %mul3A_34, %scan3A_31 : i32
      %add3A_36 = arith.constant 1 : i32
      %add3A_37 = arith.addi %mul3A_35, %add3A_36 : i32
      %dma_wait3A_38 = arith.constant 0 : i32
      %dma_wait3A_39 = tpu.memref_slice %arg3[%dma_wait3A_38] : memref<327680xi32, #tpu.memory_space<hbm>> -> memref<5120xi32, #tpu.memory_space<hbm>>
      %dma_wait3A_40 = arith.constant 0 : i32
      %dma_wait3A_41 = tpu.memref_slice %arg3[%dma_wait3A_40] : memref<327680xi32, #tpu.memory_space<hbm>> -> memref<5120xi32, #tpu.memory_space<hbm>>
      tpu.wait_dma2 semaphore(%arg9 : memref<!tpu.dma_semaphore, #tpu.memory_space<semaphore_mem>>) src(%dma_wait3A_41 : memref<5120xi32, #tpu.memory_space<hbm>>) dst(%arg5 : memref<5120xi32, #tpu.memory_space<vmem>>)
      %broadcast_in_dim3A_42 = arith.constant 0 : i32
      %broadcast_in_dim3A_43 = vector.broadcast %broadcast_in_dim3A_42 : i32 to vector<16xi32>
      %broadcast_in_dim3A_44 = arith.constant 1 : i32
      %broadcast_in_dim3A_45 = vector.broadcast %broadcast_in_dim3A_44 : i32 to vector<16xi32>
      %parallel_loop3A = arith.constant 0 : i32
      %parallel_loop3A_46 = arith.constant 320 : i32
      %parallel_loop3A_47 = arith.constant 1 : i32
      scf.for %parallel_loop3A_74 = %parallel_loop3A to %parallel_loop3A_46 step %parallel_loop3A_47  : i32 {
        %parallel_loop3A_75 = arith.constant 16 : i32
        %parallel_loop3A_76 = arith.muli %parallel_loop3A_74, %parallel_loop3A_75 : i32
        %parallel_loop3A_77 = arith.index_cast %parallel_loop3A_76 : i32 to index
        %parallel_loop3A_78 = tpu.vector_load %arg5[%parallel_loop3A_77] {strides = array<i32>} : memref<5120xi32, #tpu.memory_space<vmem>>, vector<16xi32>,
        %parallel_loop3A_79 = arith.andi %parallel_loop3A_78, %broadcast_in_dim3A_10 : vector<16xi32>
        %parallel_loop3A_80 = arith.constant 16 : i32
        %parallel_loop3A_81 = vector.broadcast %parallel_loop3A_80 : i32 to vector<16xi32>
        %parallel_loop3A_82 = arith.shrui %parallel_loop3A_78, %parallel_loop3A_81 : vector<16xi32>
        %parallel_loop3A_83 = tpu.vector_load_idx %arg7[%broadcast_in_dim3A_43, %parallel_loop3A_79] : memref<2x10240xf32, #tpu.memory_space<vmem>>[vector<16xi32>, vector<16xi32>], vector<16xf32>,
        tpu.vector_store_idx %arg8[%broadcast_in_dim3A_43, %parallel_loop3A_82], %parallel_loop3A_83 {add = true} : memref<2x10240xf32, #tpu.memory_space<vmem>>[vector<16xi32>, vector<16xi32>], vector<16xf32>,
        %parallel_loop3A_84 = tpu.vector_load_idx %arg7[%broadcast_in_dim3A_45, %parallel_loop3A_79] : memref<2x10240xf32, #tpu.memory_space<vmem>>[vector<16xi32>, vector<16xi32>], vector<16xf32>,
        tpu.vector_store_idx %arg8[%broadcast_in_dim3A_45, %parallel_loop3A_82], %parallel_loop3A_84 {add = true} : memref<2x10240xf32, #tpu.memory_space<vmem>>[vector<16xi32>, vector<16xi32>], vector<16xf32>,
      } {sc.loop_unroll_factor = 4 : i64, sc.parallel_access}
      %add3A_48 = arith.constant 2 : i32
      %add3A_49 = arith.addi %mul3A_33, %add3A_48 : i32
      %min3A = arith.constant 62 : i32
      %min3A_50 = arith.minsi %add3A_49, %min3A : i32
      %mul3A_51 = arith.constant 5120 : i32
      %mul3A_52 = arith.muli %min3A_50, %mul3A_51 : i32
      %dma_start3A_53 = tpu.memref_slice %arg3[%mul3A_52] : memref<327680xi32, #tpu.memory_space<hbm>> -> memref<5120xi32, #tpu.memory_space<hbm>>
      %dma_start3A_54 = tpu.memref_slice %arg3[%mul3A_52] : memref<327680xi32, #tpu.memory_space<hbm>> -> memref<5120xi32, #tpu.memory_space<hbm>>
      tpu.enqueue_dma source(%dma_start3A_54 : memref<5120xi32, #tpu.memory_space<hbm>>) target(%arg5 : memref<5120xi32, #tpu.memory_space<vmem>>) target_semaphore(%arg9 : memref<!tpu.dma_semaphore, #tpu.memory_space<semaphore_mem>>)
      %dma_wait3A_55 = arith.constant 0 : i32
      %dma_wait3A_56 = tpu.memref_slice %arg3[%dma_wait3A_55] : memref<327680xi32, #tpu.memory_space<hbm>> -> memref<5120xi32, #tpu.memory_space<hbm>>
      %dma_wait3A_57 = arith.constant 0 : i32
      %dma_wait3A_58 = tpu.memref_slice %arg3[%dma_wait3A_57] : memref<327680xi32, #tpu.memory_space<hbm>> -> memref<5120xi32, #tpu.memory_space<hbm>>
      tpu.wait_dma2 semaphore(%arg10 : memref<!tpu.dma_semaphore, #tpu.memory_space<semaphore_mem>>) src(%dma_wait3A_58 : memref<5120xi32, #tpu.memory_space<hbm>>) dst(%arg6 : memref<5120xi32, #tpu.memory_space<vmem>>)
      %broadcast_in_dim3A_59 = arith.constant 0 : i32
      %broadcast_in_dim3A_60 = vector.broadcast %broadcast_in_dim3A_59 : i32 to vector<16xi32>
      %broadcast_in_dim3A_61 = arith.constant 1 : i32
      %broadcast_in_dim3A_62 = vector.broadcast %broadcast_in_dim3A_61 : i32 to vector<16xi32>
      %parallel_loop3A_63 = arith.constant 0 : i32
      %parallel_loop3A_64 = arith.constant 320 : i32
      %parallel_loop3A_65 = arith.constant 1 : i32
      scf.for %parallel_loop3A_74 = %parallel_loop3A_63 to %parallel_loop3A_64 step %parallel_loop3A_65  : i32 {
        %parallel_loop3A_75 = arith.constant 16 : i32
        %parallel_loop3A_76 = arith.muli %parallel_loop3A_74, %parallel_loop3A_75 : i32
        %parallel_loop3A_77 = arith.index_cast %parallel_loop3A_76 : i32 to index
        %parallel_loop3A_78 = tpu.vector_load %arg6[%parallel_loop3A_77] {strides = array<i32>} : memref<5120xi32, #tpu.memory_space<vmem>>, vector<16xi32>,
        %parallel_loop3A_79 = arith.andi %parallel_loop3A_78, %broadcast_in_dim3A_10 : vector<16xi32>
        %parallel_loop3A_80 = arith.constant 16 : i32
        %parallel_loop3A_81 = vector.broadcast %parallel_loop3A_80 : i32 to vector<16xi32>
        %parallel_loop3A_82 = arith.shrui %parallel_loop3A_78, %parallel_loop3A_81 : vector<16xi32>
        %parallel_loop3A_83 = tpu.vector_load_idx %arg7[%broadcast_in_dim3A_60, %parallel_loop3A_79] : memref<2x10240xf32, #tpu.memory_space<vmem>>[vector<16xi32>, vector<16xi32>], vector<16xf32>,
        tpu.vector_store_idx %arg8[%broadcast_in_dim3A_60, %parallel_loop3A_82], %parallel_loop3A_83 {add = true} : memref<2x10240xf32, #tpu.memory_space<vmem>>[vector<16xi32>, vector<16xi32>], vector<16xf32>,
        %parallel_loop3A_84 = tpu.vector_load_idx %arg7[%broadcast_in_dim3A_62, %parallel_loop3A_79] : memref<2x10240xf32, #tpu.memory_space<vmem>>[vector<16xi32>, vector<16xi32>], vector<16xf32>,
        tpu.vector_store_idx %arg8[%broadcast_in_dim3A_62, %parallel_loop3A_82], %parallel_loop3A_84 {add = true} : memref<2x10240xf32, #tpu.memory_space<vmem>>[vector<16xi32>, vector<16xi32>], vector<16xf32>,
      } {sc.loop_unroll_factor = 4 : i64, sc.parallel_access}
      %add3A_66 = arith.constant 2 : i32
      %add3A_67 = arith.addi %add3A_37, %add3A_66 : i32
      %min3A_68 = arith.constant 63 : i32
      %min3A_69 = arith.minsi %add3A_67, %min3A_68 : i32
      %mul3A_70 = arith.constant 5120 : i32
      %mul3A_71 = arith.muli %min3A_69, %mul3A_70 : i32
      %dma_start3A_72 = tpu.memref_slice %arg3[%mul3A_71] : memref<327680xi32, #tpu.memory_space<hbm>> -> memref<5120xi32, #tpu.memory_space<hbm>>
      %dma_start3A_73 = tpu.memref_slice %arg3[%mul3A_71] : memref<327680xi32, #tpu.memory_space<hbm>> -> memref<5120xi32, #tpu.memory_space<hbm>>
      tpu.enqueue_dma source(%dma_start3A_73 : memref<5120xi32, #tpu.memory_space<hbm>>) target(%arg6 : memref<5120xi32, #tpu.memory_space<vmem>>) target_semaphore(%arg10 : memref<!tpu.dma_semaphore, #tpu.memory_space<semaphore_mem>>)
    }
    %scan3A_23 = arith.constant 32 : i32
    %dma_wait3A = arith.constant 0 : i32
    %dma_wait3A_24 = tpu.memref_slice %arg3[%dma_wait3A] : memref<327680xi32, #tpu.memory_space<hbm>> -> memref<5120xi32, #tpu.memory_space<hbm>>
    %dma_wait3A_25 = arith.constant 0 : i32
    %dma_wait3A_26 = tpu.memref_slice %arg3[%dma_wait3A_25] : memref<327680xi32, #tpu.memory_space<hbm>> -> memref<5120xi32, #tpu.memory_space<hbm>>
    tpu.wait_dma2 semaphore(%arg9 : memref<!tpu.dma_semaphore, #tpu.memory_space<semaphore_mem>>) src(%dma_wait3A_26 : memref<5120xi32, #tpu.memory_space<hbm>>) dst(%arg5 : memref<5120xi32, #tpu.memory_space<vmem>>)
    %dma_wait3A_27 = arith.constant 0 : i32
    %dma_wait3A_28 = tpu.memref_slice %arg3[%dma_wait3A_27] : memref<327680xi32, #tpu.memory_space<hbm>> -> memref<5120xi32, #tpu.memory_space<hbm>>
    %dma_wait3A_29 = arith.constant 0 : i32
    %dma_wait3A_30 = tpu.memref_slice %arg3[%dma_wait3A_29] : memref<327680xi32, #tpu.memory_space<hbm>> -> memref<5120xi32, #tpu.memory_space<hbm>>
    tpu.wait_dma2 semaphore(%arg10 : memref<!tpu.dma_semaphore, #tpu.memory_space<semaphore_mem>>) src(%dma_wait3A_30 : memref<5120xi32, #tpu.memory_space<hbm>>) dst(%arg6 : memref<5120xi32, #tpu.memory_space<vmem>>)
    "tpu.region"() ({
      %run_scoped3A = tpu.sem_alloc : memref<!tpu.dma_semaphore, #tpu.memory_space<semaphore_mem>>
      %dma_start3A_31 = arith.constant 0 : i32
      %dma_start3A_32 = tpu.memref_slice %arg4[%mul3A_2, %dma_start3A_31] : memref<64x10240xf32, #tpu.memory_space<hbm>> -> memref<2x10240xf32, #tpu.memory_space<hbm>>
      %dma_start3A_33 = arith.constant 0 : i32
      %dma_start3A_34 = tpu.memref_slice %arg4[%mul3A_2, %dma_start3A_33] : memref<64x10240xf32, #tpu.memory_space<hbm>> -> memref<2x10240xf32, #tpu.memory_space<hbm>>
      tpu.enqueue_dma source(%arg8 : memref<2x10240xf32, #tpu.memory_space<vmem>>) target(%dma_start3A_34 : memref<2x10240xf32, #tpu.memory_space<hbm>>) target_semaphore(%run_scoped3A : memref<!tpu.dma_semaphore, #tpu.memory_space<semaphore_mem>>)
      %dma_wait3A_35 = arith.constant 0 : i32
      %dma_wait3A_36 = tpu.memref_slice %arg4[%mul3A_2, %dma_wait3A_35] : memref<64x10240xf32, #tpu.memory_space<hbm>> -> memref<2x10240xf32, #tpu.memory_space<hbm>>
      %dma_wait3A_37 = arith.constant 0 : i32
      %dma_wait3A_38 = tpu.memref_slice %arg4[%mul3A_2, %dma_wait3A_37] : memref<64x10240xf32, #tpu.memory_space<hbm>> -> memref<2x10240xf32, #tpu.memory_space<hbm>>
      tpu.wait_dma2 semaphore(%run_scoped3A : memref<!tpu.dma_semaphore, #tpu.memory_space<semaphore_mem>>) src(%arg8 : memref<2x10240xf32, #tpu.memory_space<vmem>>) dst(%dma_wait3A_38 : memref<2x10240xf32, #tpu.memory_space<hbm>>)
      tpu.yield
    }) : () -> ()
    return
  }
}

#map = affine_map<(d0, d1) -> (0)>
#map1 = affine_map<(d0, d1) -> (0, 0)>
module attributes {stable_mosaic.version = 14 : i64} {
  func.func @k(%arg0: i32, %arg1: i32, %arg2: memref<327680xi32, #tpu.memory_space<hbm>>, %arg3: memref<32x10240xf32, #tpu.memory_space<hbm>>, %arg4: memref<10240xi32, #tpu.memory_space<vmem>>, %arg5: memref<10240xf32, #tpu.memory_space<vmem>>) attributes {dimension_semantics = [#tpu.dimension_semantics<core_parallel>, #tpu.dimension_semantics<subcore_parallel>], iteration_bounds = array<i64: 2, 16>, scalar_prefetch = 0 : i64, scratch_operands = 2 : i64, tpu.core_type = #tpu.core_type<sc_vector_subcore>, window_params = [{transform_indices = #map}, {transform_indices = #map1}]} {
    %mul3A = arith.constant 16 : i32
    %mul3A_0 = arith.muli %arg0, %mul3A : i32
    %add3A = arith.addi %mul3A_0, %arg1 : i32
    %mul3A_1 = arith.constant 10240 : i32
    %mul3A_2 = arith.muli %add3A, %mul3A_1 : i32
    "tpu.region"() ({
      %run_scoped3A = tpu.sem_alloc : memref<!tpu.dma_semaphore, #tpu.memory_space<semaphore_mem>>
      %dma_start3A = tpu.memref_slice %arg2[%mul3A_2] : memref<327680xi32, #tpu.memory_space<hbm>> -> memref<10240xi32, #tpu.memory_space<hbm>>
      %dma_start3A_13 = tpu.memref_slice %arg2[%mul3A_2] : memref<327680xi32, #tpu.memory_space<hbm>> -> memref<10240xi32, #tpu.memory_space<hbm>>
      tpu.enqueue_dma source(%dma_start3A_13 : memref<10240xi32, #tpu.memory_space<hbm>>) target(%arg4 : memref<10240xi32, #tpu.memory_space<vmem>>) target_semaphore(%run_scoped3A : memref<!tpu.dma_semaphore, #tpu.memory_space<semaphore_mem>>)
      %dma_wait3A = tpu.memref_slice %arg2[%mul3A_2] : memref<327680xi32, #tpu.memory_space<hbm>> -> memref<10240xi32, #tpu.memory_space<hbm>>
      %dma_wait3A_14 = tpu.memref_slice %arg2[%mul3A_2] : memref<327680xi32, #tpu.memory_space<hbm>> -> memref<10240xi32, #tpu.memory_space<hbm>>
      tpu.wait_dma2 semaphore(%run_scoped3A : memref<!tpu.dma_semaphore, #tpu.memory_space<semaphore_mem>>) src(%dma_wait3A_14 : memref<10240xi32, #tpu.memory_space<hbm>>) dst(%arg4 : memref<10240xi32, #tpu.memory_space<vmem>>)
      tpu.yield
    }) : () -> ()
    %broadcast_in_dim3A = arith.constant 0.000000e+00 : f32
    %broadcast_in_dim3A_3 = vector.broadcast %broadcast_in_dim3A : f32 to vector<16xf32>
    %broadcast_in_dim3A_4 = arith.constant 1.000000e+00 : f32
    %broadcast_in_dim3A_5 = vector.broadcast %broadcast_in_dim3A_4 : f32 to vector<16xf32>
    %scan3A = arith.constant 0 : i32
    %scan3A_6 = arith.constant 0 : i32
    %scan3A_7 = arith.constant 640 : i32
    %scan3A_8 = arith.addi %scan3A_6, %scan3A_7 : i32
    %scan3A_9 = arith.constant 1 : i32
    scf.for %scan3A_13 = %scan3A_6 to %scan3A_8 step %scan3A_9  : i32 {
      %mul3A_14 = arith.constant 16 : i32
      %mul3A_15 = arith.muli %scan3A_13, %mul3A_14 : i32
      %swap3A = arith.index_cast %mul3A_15 : i32 to index
      %swap3A_16 = tpu.vector_load %arg5[%swap3A] {strides = array<i32>} : memref<10240xf32, #tpu.memory_space<vmem>>, vector<16xf32>,
      tpu.vector_store %arg5[%swap3A], %broadcast_in_dim3A_3 {strides = array<i32>} : memref<10240xf32, #tpu.memory_space<vmem>>, vector<16xf32>,
    }
    %scan3A_10 = arith.constant 640 : i32
    %parallel_loop3A = arith.constant 0 : i32
    %parallel_loop3A_11 = arith.constant 640 : i32
    %parallel_loop3A_12 = arith.constant 1 : i32
    scf.for %parallel_loop3A_13 = %parallel_loop3A to %parallel_loop3A_11 step %parallel_loop3A_12  : i32 {
      %parallel_loop3A_14 = arith.constant 16 : i32
      %parallel_loop3A_15 = arith.muli %parallel_loop3A_13, %parallel_loop3A_14 : i32
      %parallel_loop3A_16 = arith.index_cast %parallel_loop3A_15 : i32 to index
      %parallel_loop3A_17 = tpu.vector_load %arg4[%parallel_loop3A_16] {strides = array<i32>} : memref<10240xi32, #tpu.memory_space<vmem>>, vector<16xi32>,
      %parallel_loop3A_18 = arith.constant 16 : i32
      %parallel_loop3A_19 = vector.broadcast %parallel_loop3A_18 : i32 to vector<16xi32>
      %parallel_loop3A_20 = arith.shrui %parallel_loop3A_17, %parallel_loop3A_19 : vector<16xi32>
      tpu.vector_store_idx %arg5[%parallel_loop3A_20], %broadcast_in_dim3A_5 {add = true} : memref<10240xf32, #tpu.memory_space<vmem>>[vector<16xi32>], vector<16xf32>,
    } {sc.loop_unroll_factor = 8 : i64, sc.parallel_access}
    "tpu.region"() ({
      %run_scoped3A = tpu.sem_alloc : memref<!tpu.dma_semaphore, #tpu.memory_space<semaphore_mem>>
      %dma_start3A = arith.constant 0 : i32
      %dma_start3A_13 = tpu.memref_slice %arg3[%add3A, %dma_start3A] : memref<32x10240xf32, #tpu.memory_space<hbm>> -> memref<1x10240xf32, #tpu.memory_space<hbm>>
      %dma_start3A_14 = tpu.memref_squeeze %dma_start3A_13 : memref<1x10240xf32, #tpu.memory_space<hbm>> -> memref<10240xf32, #tpu.memory_space<hbm>>
      %dma_start3A_15 = arith.constant 0 : i32
      %dma_start3A_16 = tpu.memref_slice %arg3[%add3A, %dma_start3A_15] : memref<32x10240xf32, #tpu.memory_space<hbm>> -> memref<1x10240xf32, #tpu.memory_space<hbm>>
      %dma_start3A_17 = tpu.memref_squeeze %dma_start3A_16 : memref<1x10240xf32, #tpu.memory_space<hbm>> -> memref<10240xf32, #tpu.memory_space<hbm>>
      tpu.enqueue_dma source(%arg5 : memref<10240xf32, #tpu.memory_space<vmem>>) target(%dma_start3A_17 : memref<10240xf32, #tpu.memory_space<hbm>>) target_semaphore(%run_scoped3A : memref<!tpu.dma_semaphore, #tpu.memory_space<semaphore_mem>>)
      %dma_wait3A = arith.constant 0 : i32
      %dma_wait3A_18 = tpu.memref_slice %arg3[%add3A, %dma_wait3A] : memref<32x10240xf32, #tpu.memory_space<hbm>> -> memref<1x10240xf32, #tpu.memory_space<hbm>>
      %dma_wait3A_19 = tpu.memref_squeeze %dma_wait3A_18 : memref<1x10240xf32, #tpu.memory_space<hbm>> -> memref<10240xf32, #tpu.memory_space<hbm>>
      %dma_wait3A_20 = arith.constant 0 : i32
      %dma_wait3A_21 = tpu.memref_slice %arg3[%add3A, %dma_wait3A_20] : memref<32x10240xf32, #tpu.memory_space<hbm>> -> memref<1x10240xf32, #tpu.memory_space<hbm>>
      %dma_wait3A_22 = tpu.memref_squeeze %dma_wait3A_21 : memref<1x10240xf32, #tpu.memory_space<hbm>> -> memref<10240xf32, #tpu.memory_space<hbm>>
      tpu.wait_dma2 semaphore(%run_scoped3A : memref<!tpu.dma_semaphore, #tpu.memory_space<semaphore_mem>>) src(%arg5 : memref<10240xf32, #tpu.memory_space<vmem>>) dst(%dma_wait3A_22 : memref<10240xf32, #tpu.memory_space<hbm>>)
      tpu.yield
    }) : () -> ()
    return
  }
}

module attributes {stable_mosaic.version = 14 : i64} {
  func.func @body(%arg0: memref<32x10240xf32, #tpu.memory_space<vmem>>, %arg1: memref<1x10240xf32, #tpu.memory_space<vmem>>) attributes {dimension_semantics = [], scalar_prefetch = 0 : i64, scratch_operands = 0 : i64, tpu.core_type = #tpu.core_type<tc>} {
    %get3A = arith.constant 0 : index
    %get3A_0 = arith.constant 0 : index
    %get3A_1 = vector.load %arg0[%get3A, %get3A_0] : memref<32x10240xf32, #tpu.memory_space<vmem>>, vector<32x10240xf32>
    %reduce_sum3A = arith.constant dense<0.000000e+00> : vector<10240xf32>
    %reduce_sum3A_2 = vector.multi_reduction <add>, %get3A_1, %reduce_sum3A [0] : vector<32x10240xf32> to vector<10240xf32>
    %add3A = arith.constant 1.000000e+00 : f32
    %add3A_3 = vector.broadcast %add3A : f32 to vector<10240xf32>
    %add3A_4 = arith.addf %reduce_sum3A_2, %add3A_3 : vector<10240xf32>
    %rsqrt3A = math.rsqrt %add3A_4 : vector<10240xf32>
    %broadcast_in_dim3A = vector.shape_cast %rsqrt3A : vector<10240xf32> to vector<1x10240xf32>
    %swap3A = arith.constant 0 : index
    %swap3A_5 = arith.constant 0 : index
    %swap3A_6 = vector.load %arg1[%swap3A, %swap3A_5] : memref<1x10240xf32, #tpu.memory_space<vmem>>, vector<1x10240xf32>
    tpu.vector_store %arg1[%swap3A, %swap3A_5], %broadcast_in_dim3A {strides = array<i32>} : memref<1x10240xf32, #tpu.memory_space<vmem>>, vector<1x10240xf32>,
    return
  }
}

module attributes {stable_mosaic.version = 14 : i64} {
  func.func @body(%arg0: i32, %arg1: memref<2x32768xi32, #tpu.memory_space<vmem>>, %arg2: memref<32768xi32, #tpu.memory_space<vmem>>) attributes {dimension_semantics = [#tpu.dimension_semantics<arbitrary>], iteration_bounds = array<i64: 10>, scalar_prefetch = 0 : i64, scratch_operands = 0 : i64, tpu.core_type = #tpu.core_type<tc>, window_params = [{transform_indices = @transform_0, window_bounds = array<i64: 2, 32768>}, {transform_indices = @transform_1, window_bounds = array<i64: 32768>}]} {
    %iota3A = tpu.iota {dimensions = array<i32: 1>} : vector<1x32768xi32>
    %iota3A_0 = vector.shape_cast %iota3A : vector<1x32768xi32> to vector<32768xi32>
    %mul3A = arith.constant 32768 : i32
    %mul3A_1 = arith.muli %arg0, %mul3A : i32
    %add3A = vector.broadcast %mul3A_1 : i32 to vector<32768xi32>
    %add3A_2 = arith.addi %iota3A_0, %add3A : vector<32768xi32>
    %get3A = arith.constant 0 : index
    %get3A_3 = arith.constant 0 : index
    %get3A_4 = vector.load %arg1[%get3A, %get3A_3] : memref<2x32768xi32, #tpu.memory_space<vmem>>, vector<1x32768xi32>
    %get3A_5 = vector.shape_cast %get3A_4 : vector<1x32768xi32> to vector<32768xi32>
    %get3A_6 = arith.constant 1 : index
    %get3A_7 = arith.constant 0 : index
    %get3A_8 = vector.load %arg1[%get3A_6, %get3A_7] : memref<2x32768xi32, #tpu.memory_space<vmem>>, vector<1x32768xi32>
    %get3A_9 = vector.shape_cast %get3A_8 : vector<1x32768xi32> to vector<32768xi32>
    %shift_left3A = arith.constant 16 : i32
    %shift_left3A_10 = vector.broadcast %shift_left3A : i32 to vector<32768xi32>
    %shift_left3A_11 = arith.shli %get3A_9, %shift_left3A_10 : vector<32768xi32>
    %or3A = arith.ori %get3A_5, %shift_left3A_11 : vector<32768xi32>
    %lt3A = arith.constant 320000 : i32
    %lt3A_12 = vector.broadcast %lt3A : i32 to vector<32768xi32>
    %lt3A_13 = arith.cmpi slt, %add3A_2, %lt3A_12 : vector<32768xi32>
    %jit3A = arith.constant 655360000 : i32
    %broadcast_in_dim3A = vector.broadcast %jit3A : i32 to vector<32768xi32>
    %select_n3A = arith.select %lt3A_13, %or3A, %broadcast_in_dim3A : vector<32768xi1>, vector<32768xi32>
    %swap3A = arith.constant 0 : index
    %swap3A_14 = vector.load %arg2[%swap3A] : memref<32768xi32, #tpu.memory_space<vmem>>, vector<32768xi32>
    tpu.vector_store %arg2[%swap3A], %select_n3A {strides = array<i32>} : memref<32768xi32, #tpu.memory_space<vmem>>, vector<32768xi32>,
    return
  }
  func.func @transform_0(%arg0: i32) -> (i32, i32) {
    %c0_i32 = arith.constant 0 : i32
    %c0_i32_0 = arith.constant 0 : i32
    return %c0_i32, %arg0 : i32, i32
  }
  func.func @transform_1(%arg0: i32) -> i32 {
    %c0_i32 = arith.constant 0 : i32
    return %arg0 : i32
  }
}

module attributes {stable_mosaic.version = 14 : i64} {
  func.func @body(%arg0: i32, %arg1: memref<128x1280xf32, #tpu.memory_space<vmem>>, %arg2: memref<128x128xf32, #tpu.memory_space<vmem>>, %arg3: memref<1x1280xf32, #tpu.memory_space<vmem>>, %arg4: memref<128x1280xf32, #tpu.memory_space<vmem>>) attributes {dimension_semantics = [#tpu.dimension_semantics<arbitrary>], iteration_bounds = array<i64: 8>, scalar_prefetch = 0 : i64, scratch_operands = 0 : i64, tpu.core_type = #tpu.core_type<tc>, window_params = [{transform_indices = @transform_0, window_bounds = array<i64: 128, 1280>}, {pipeline_mode = #tpu.pipeline_mode<synchronous>, transform_indices = @transform_1, window_bounds = array<i64: 128, 128>}, {transform_indices = @transform_2, window_bounds = array<i64: 1, 1280>}, {transform_indices = @transform_3, window_bounds = array<i64: 128, 1280>}]} {
    %get3A = arith.constant 0 : index
    %get3A_0 = arith.constant 0 : index
    %get3A_1 = vector.load %arg2[%get3A, %get3A_0] : memref<128x128xf32, #tpu.memory_space<vmem>>, vector<128x128xf32>
    %get3A_2 = arith.constant 0 : index
    %get3A_3 = arith.constant 0 : index
    %get3A_4 = vector.load %arg1[%get3A_2, %get3A_3] : memref<128x1280xf32, #tpu.memory_space<vmem>>, vector<128x1280xf32>
    %dot_general3A = arith.constant dense<0.000000e+00> : vector<128x1280xf32>
    %dot_general3A_5 = tpu.matmul %get3A_1, %get3A_4, %dot_general3A {dimension_numbers = #tpu.dot_dimension_numbers<[1], [0], [0], [1], [0, 0, 1, 1], [], []>, transpose_lhs_hint = false} : vector<128x128xf32>, vector<128x1280xf32>, vector<128x1280xf32> -> vector<128x1280xf32>
    %get3A_6 = arith.constant 0 : index
    %get3A_7 = arith.constant 0 : index
    %get3A_8 = vector.load %arg3[%get3A_6, %get3A_7] : memref<1x1280xf32, #tpu.memory_space<vmem>>, vector<1x1280xf32>
    %mul3A = vector.broadcast %get3A_8 : vector<1x1280xf32> to vector<128x1280xf32>
    %mul3A_9 = arith.mulf %dot_general3A_5, %mul3A : vector<128x1280xf32>
    %swap3A = arith.constant 0 : index
    %swap3A_10 = arith.constant 0 : index
    %swap3A_11 = vector.load %arg4[%swap3A, %swap3A_10] : memref<128x1280xf32, #tpu.memory_space<vmem>>, vector<128x1280xf32>
    tpu.vector_store %arg4[%swap3A, %swap3A_10], %mul3A_9 {strides = array<i32>} : memref<128x1280xf32, #tpu.memory_space<vmem>>, vector<128x1280xf32>,
    return
  }
  func.func @transform_0(%arg0: i32) -> (i32, i32) {
    %c0_i32 = arith.constant 0 : i32
    %c0_i32_0 = arith.constant 0 : i32
    return %c0_i32, %arg0 : i32, i32
  }
  func.func @transform_1(%arg0: i32) -> (i32, i32) {
    %c0_i32 = arith.constant 0 : i32
    %c0_i32_0 = arith.constant 0 : i32
    %c0_i32_1 = arith.constant 0 : i32
    return %c0_i32, %c0_i32_0 : i32, i32
  }
  func.func @transform_2(%arg0: i32) -> (i32, i32) {
    %c0_i32 = arith.constant 0 : i32
    %c0_i32_0 = arith.constant 0 : i32
    return %c0_i32, %arg0 : i32, i32
  }
  func.func @transform_3(%arg0: i32) -> (i32, i32) {
    %c0_i32 = arith.constant 0 : i32
    %c0_i32_0 = arith.constant 0 : i32
    return %c0_i32, %arg0 : i32, i32
  }
}

module attributes {stable_mosaic.version = 14 : i64} {
  func.func @body(%arg0: i32, %arg1: memref<128x2560xf32, #tpu.memory_space<vmem>>, %arg2: memref<128x2560xf32, #tpu.memory_space<vmem>>, %arg3: memref<1x2560xf32, #tpu.memory_space<vmem>>, %arg4: memref<128x1xf32, #tpu.memory_space<vmem>>, %arg5: memref<64x128xf32, #tpu.memory_space<vmem>>, %arg6: memref<64x2560xf32, #tpu.memory_space<vmem>>) attributes {dimension_semantics = [#tpu.dimension_semantics<arbitrary>], iteration_bounds = array<i64: 4>, scalar_prefetch = 0 : i64, scratch_operands = 0 : i64, tpu.core_type = #tpu.core_type<tc>, window_params = [{transform_indices = @transform_0, window_bounds = array<i64: 128, 2560>}, {transform_indices = @transform_1, window_bounds = array<i64: 128, 2560>}, {transform_indices = @transform_2, window_bounds = array<i64: 1, 2560>}, {pipeline_mode = #tpu.pipeline_mode<synchronous>, transform_indices = @transform_3, window_bounds = array<i64: 128, 1>}, {pipeline_mode = #tpu.pipeline_mode<synchronous>, transform_indices = @transform_4, window_bounds = array<i64: 64, 128>}, {transform_indices = @transform_5, window_bounds = array<i64: 64, 2560>}]} {
    %get3A = arith.constant 0 : index
    %get3A_0 = arith.constant 0 : index
    %get3A_1 = vector.load %arg1[%get3A, %get3A_0] : memref<128x2560xf32, #tpu.memory_space<vmem>>, vector<128x2560xf32>
    %get3A_2 = arith.constant 0 : index
    %get3A_3 = arith.constant 0 : index
    %get3A_4 = vector.load %arg2[%get3A_2, %get3A_3] : memref<128x2560xf32, #tpu.memory_space<vmem>>, vector<128x2560xf32>
    %add3A = arith.addf %get3A_1, %get3A_4 : vector<128x2560xf32>
    %get3A_5 = arith.constant 0 : index
    %get3A_6 = arith.constant 0 : index
    %get3A_7 = vector.load %arg3[%get3A_5, %get3A_6] : memref<1x2560xf32, #tpu.memory_space<vmem>>, vector<1x2560xf32>
    %mul3A = vector.broadcast %get3A_7 : vector<1x2560xf32> to vector<128x2560xf32>
    %mul3A_8 = arith.mulf %add3A, %mul3A : vector<128x2560xf32>
    %get3A_9 = arith.constant 0 : index
    %get3A_10 = arith.constant 0 : index
    %get3A_11 = vector.load %arg4[%get3A_9, %get3A_10] : memref<128x1xf32, #tpu.memory_space<vmem>>, vector<128x1xf32>
    %add3A_12 = vector.broadcast %get3A_11 : vector<128x1xf32> to vector<128x2560xf32>
    %add3A_13 = arith.addf %mul3A_8, %add3A_12 : vector<128x2560xf32>
    %max3A = arith.constant 0.000000e+00 : f32
    %max3A_14 = vector.broadcast %max3A : f32 to vector<128x2560xf32>
    %max3A_15 = arith.maximumf %add3A_13, %max3A_14 : vector<128x2560xf32>
    %get3A_16 = arith.constant 0 : index
    %get3A_17 = arith.constant 0 : index
    %get3A_18 = vector.load %arg5[%get3A_16, %get3A_17] : memref<64x128xf32, #tpu.memory_space<vmem>>, vector<64x128xf32>
    %dot_general3A = arith.constant dense<0.000000e+00> : vector<64x2560xf32>
    %dot_general3A_19 = tpu.matmul %get3A_18, %max3A_15, %dot_general3A {dimension_numbers = #tpu.dot_dimension_numbers<[1], [0], [0], [1], [0, 0, 1, 1], [], []>, transpose_lhs_hint = false} : vector<64x128xf32>, vector<128x2560xf32>, vector<64x2560xf32> -> vector<64x2560xf32>
    %get3A_20 = arith.constant 0 : index
    %get3A_21 = arith.constant 0 : index
    %get3A_22 = vector.load %arg3[%get3A_20, %get3A_21] : memref<1x2560xf32, #tpu.memory_space<vmem>>, vector<1x2560xf32>
    %mul3A_23 = vector.broadcast %get3A_22 : vector<1x2560xf32> to vector<64x2560xf32>
    %mul3A_24 = arith.mulf %dot_general3A_19, %mul3A_23 : vector<64x2560xf32>
    %swap3A = arith.constant 0 : index
    %swap3A_25 = arith.constant 0 : index
    %swap3A_26 = vector.load %arg6[%swap3A, %swap3A_25] : memref<64x2560xf32, #tpu.memory_space<vmem>>, vector<64x2560xf32>
    tpu.vector_store %arg6[%swap3A, %swap3A_25], %mul3A_24 {strides = array<i32>} : memref<64x2560xf32, #tpu.memory_space<vmem>>, vector<64x2560xf32>,
    return
  }
  func.func @transform_0(%arg0: i32) -> (i32, i32) {
    %c0_i32 = arith.constant 0 : i32
    %c0_i32_0 = arith.constant 0 : i32
    return %c0_i32, %arg0 : i32, i32
  }
  func.func @transform_1(%arg0: i32) -> (i32, i32) {
    %c0_i32 = arith.constant 0 : i32
    %c0_i32_0 = arith.constant 0 : i32
    return %c0_i32, %arg0 : i32, i32
  }
  func.func @transform_2(%arg0: i32) -> (i32, i32) {
    %c0_i32 = arith.constant 0 : i32
    %c0_i32_0 = arith.constant 0 : i32
    return %c0_i32, %arg0 : i32, i32
  }
  func.func @transform_3(%arg0: i32) -> (i32, i32) {
    %c0_i32 = arith.constant 0 : i32
    %c0_i32_0 = arith.constant 0 : i32
    %c0_i32_1 = arith.constant 0 : i32
    return %c0_i32, %c0_i32_0 : i32, i32
  }
  func.func @transform_4(%arg0: i32) -> (i32, i32) {
    %c0_i32 = arith.constant 0 : i32
    %c0_i32_0 = arith.constant 0 : i32
    %c0_i32_1 = arith.constant 0 : i32
    return %c0_i32, %c0_i32_0 : i32, i32
  }
  func.func @transform_5(%arg0: i32) -> (i32, i32) {
    %c0_i32 = arith.constant 0 : i32
    %c0_i32_0 = arith.constant 0 : i32
    return %c0_i32, %arg0 : i32, i32
  }
}

module attributes {stable_mosaic.version = 14 : i64} {
  func.func @body(%arg0: i32, %arg1: memref<64x2560xf32, #tpu.memory_space<vmem>>, %arg2: memref<64x2560xf32, #tpu.memory_space<vmem>>, %arg3: memref<1x2560xf32, #tpu.memory_space<vmem>>, %arg4: memref<64x1xf32, #tpu.memory_space<vmem>>, %arg5: memref<2560x64xf32, #tpu.memory_space<vmem>>) attributes {dimension_semantics = [#tpu.dimension_semantics<arbitrary>], iteration_bounds = array<i64: 4>, scalar_prefetch = 0 : i64, scratch_operands = 0 : i64, tpu.core_type = #tpu.core_type<tc>, window_params = [{transform_indices = @transform_0, window_bounds = array<i64: 64, 2560>}, {transform_indices = @transform_1, window_bounds = array<i64: 64, 2560>}, {transform_indices = @transform_2, window_bounds = array<i64: 1, 2560>}, {pipeline_mode = #tpu.pipeline_mode<synchronous>, transform_indices = @transform_3, window_bounds = array<i64: 64, 1>}, {transform_indices = @transform_4, window_bounds = array<i64: 2560, 64>}]} {
    %get3A = arith.constant 0 : index
    %get3A_0 = arith.constant 0 : index
    %get3A_1 = vector.load %arg1[%get3A, %get3A_0] : memref<64x2560xf32, #tpu.memory_space<vmem>>, vector<64x2560xf32>
    %get3A_2 = arith.constant 0 : index
    %get3A_3 = arith.constant 0 : index
    %get3A_4 = vector.load %arg2[%get3A_2, %get3A_3] : memref<64x2560xf32, #tpu.memory_space<vmem>>, vector<64x2560xf32>
    %add3A = arith.addf %get3A_1, %get3A_4 : vector<64x2560xf32>
    %get3A_5 = arith.constant 0 : index
    %get3A_6 = arith.constant 0 : index
    %get3A_7 = vector.load %arg3[%get3A_5, %get3A_6] : memref<1x2560xf32, #tpu.memory_space<vmem>>, vector<1x2560xf32>
    %mul3A = vector.broadcast %get3A_7 : vector<1x2560xf32> to vector<64x2560xf32>
    %mul3A_8 = arith.mulf %add3A, %mul3A : vector<64x2560xf32>
    %get3A_9 = arith.constant 0 : index
    %get3A_10 = arith.constant 0 : index
    %get3A_11 = vector.load %arg4[%get3A_9, %get3A_10] : memref<64x1xf32, #tpu.memory_space<vmem>>, vector<64x1xf32>
    %add3A_12 = vector.broadcast %get3A_11 : vector<64x1xf32> to vector<64x2560xf32>
    %add3A_13 = arith.addf %mul3A_8, %add3A_12 : vector<64x2560xf32>
    %reduce_max3A = arith.constant dense<0xFF800000> : vector<2560xf32>
    %reduce_max3A_14 = vector.multi_reduction <maximumf>, %add3A_13, %reduce_max3A [0] : vector<64x2560xf32> to vector<2560xf32>
    %broadcast_in_dim3A = vector.shape_cast %reduce_max3A_14 : vector<2560xf32> to vector<1x2560xf32>
    %sub3A = vector.broadcast %broadcast_in_dim3A : vector<1x2560xf32> to vector<64x2560xf32>
    %sub3A_15 = arith.subf %add3A_13, %sub3A : vector<64x2560xf32>
    %exp3A = math.exp %sub3A_15 : vector<64x2560xf32>
    %reduce_sum3A = arith.constant dense<0.000000e+00> : vector<2560xf32>
    %reduce_sum3A_16 = vector.multi_reduction <add>, %exp3A, %reduce_sum3A [0] : vector<64x2560xf32> to vector<2560xf32>
    %broadcast_in_dim3A_17 = vector.shape_cast %reduce_sum3A_16 : vector<2560xf32> to vector<1x2560xf32>
    %log3A = math.log %broadcast_in_dim3A_17 : vector<1x2560xf32>
    %sub3A_18 = vector.broadcast %broadcast_in_dim3A : vector<1x2560xf32> to vector<64x2560xf32>
    %sub3A_19 = arith.subf %add3A_13, %sub3A_18 : vector<64x2560xf32>
    %sub3A_20 = vector.broadcast %log3A : vector<1x2560xf32> to vector<64x2560xf32>
    %sub3A_21 = arith.subf %sub3A_19, %sub3A_20 : vector<64x2560xf32>
    %transpose3A = tpu.transpose %sub3A_21, [1, 0] : vector<64x2560xf32> -> vector<2560x64xf32>
    %swap3A = arith.constant 0 : index
    %swap3A_22 = arith.constant 0 : index
    %swap3A_23 = vector.load %arg5[%swap3A, %swap3A_22] : memref<2560x64xf32, #tpu.memory_space<vmem>>, vector<2560x64xf32>
    tpu.vector_store %arg5[%swap3A, %swap3A_22], %transpose3A {strides = array<i32>} : memref<2560x64xf32, #tpu.memory_space<vmem>>, vector<2560x64xf32>,
    return
  }
  func.func @transform_0(%arg0: i32) -> (i32, i32) {
    %c0_i32 = arith.constant 0 : i32
    %c0_i32_0 = arith.constant 0 : i32
    return %c0_i32, %arg0 : i32, i32
  }
  func.func @transform_1(%arg0: i32) -> (i32, i32) {
    %c0_i32 = arith.constant 0 : i32
    %c0_i32_0 = arith.constant 0 : i32
    return %c0_i32, %arg0 : i32, i32
  }
  func.func @transform_2(%arg0: i32) -> (i32, i32) {
    %c0_i32 = arith.constant 0 : i32
    %c0_i32_0 = arith.constant 0 : i32
    return %c0_i32, %arg0 : i32, i32
  }
  func.func @transform_3(%arg0: i32) -> (i32, i32) {
    %c0_i32 = arith.constant 0 : i32
    %c0_i32_0 = arith.constant 0 : i32
    %c0_i32_1 = arith.constant 0 : i32
    return %c0_i32, %c0_i32_0 : i32, i32
  }
  func.func @transform_4(%arg0: i32) -> (i32, i32) {
    %c0_i32 = arith.constant 0 : i32
    %c0_i32_0 = arith.constant 0 : i32
    return %arg0, %c0_i32 : i32, i32
  }
}

</mosaic_0001>

<sc_bundles>
// kernel: kernel.10.cloned.1.call-start
scs
__scs_entry_jumppad:
0x0: {  	(pc) =	sbr.rel $0x88, $3  }
0x1: {  	(tag) =	ssettag $0x0;
	lr =	simm.s32 $0x1  }
0x2: {  	[smem:$0x3F9B] =	sst lr;
	_ =	strace $0xD0000000  }
0x3: {  	_ = 	snop  }
0x4: {  	_ = 	snop  }
0x5: {  	_ = 	snop  }
0x6: {  	_ = 	snop  }
0x7: {  	_ = 	snop  }
__scs_overlays_trampoline_lowered:
0x8: {  	[smem:$0x3FAA] =	sst s0  }
0x9: {  	[smem:$0x3FAB] =	sst s1  }
0xa: {  	[smem:$0x3FAC] =	sst s2  }
0xb: {  	[smem:$0x3FAD] =	sst s3  }
0xc: {  	[smem:$0x3FAE] =	sst s4  }
0xd: {  	[smem:$0x3FAF] =	sst s5  }
0xe: {  	[smem:$0x3FB0] =	sst s6  }
0xf: {  	[smem:$0x3FB1] =	sst s7  }
0x10: {  	[smem:$0x3FB2] =	sst s8  }
0x11: {  	[smem:$0x3FB3] =	sst s9;
	s0 =	simm.s32 @!p0 $0x0  }
0x12: {  	s1 =	sld [smem:$0x3F99];
	s0 =	simm.s32 @p0 $0x1  }
0x13: {  	[smem:$0x3FB4] =	sst s0;
	s0 =	simm.s32 @!p1 $0x0  }
0x14: {  	s2 =	sld [smem:$0x3F98];
	s0 =	simm.s32 @p1 $0x1  }
0x15: {  	[smem:$0x3FB5] =	sst s0;
	s0 =	simm.s32 @!p2 $0x0  }
0x16: {  	s3 =	sld [smem:$0x3FDB];
	s0 =	simm.s32 @p2 $0x1  }
0x17: {  	s4 =	simm.s32 $0x1BF5;
	[smem:$0x3FB7] =	sst s0  }
0x18: {  	s0 =	sld [smem:$0x3F9A];
	_ =	swait.ge [sflag:s4], $0x0  }
0x19: {  	s7 =	sld [smem:$0x3F9B]  }
0x1a: {  	s8 =	sadd.s32 $0xFFFFE003, lr  }
0x1b: {  	s9 =	sadd.s32 $0xFFFFFEF7, lr;
	s5 =	simm.s32 $0xFFFFFFFF;
	p2 =	slt.u32 s8, $0xFFFFF086  }
0x1c: {  	p1 =	slt.u32 s9, $0xF7A;
	s5 =	simm.s32 @!p2 $0x0  }
0x1d: {  	s5 =	simm.s32 @p1 $0x1;
	p0 =	seq.s32 s7, s2  }
0x1e: {  	s7 =	smul.u32 @!p0 $0xF7A, s2;
	p2 =	seq.s32 @!p0 s5, $0x0  }
0x1f: {  	s9 =	smul.u32 $0xF7A, s1;
	s8 =	simm.s32 @!p0 $0x1BF5;
	p2 =	por !p2, p0  }
0x20: {  	[sflag:s8] =	ssyncset.s32 @!p0 $0xFFFFF086;
	s6 =	sadd.s32 @!p0 s3, s7;
	s7 =	simm.s32 @!p0 $0x108  }
0x21: {  	s3 =	sadd.s32 s3, s9;
	s6 =	sadd.s32 @!p0 $0x88, s6;
	s7 =	simm.s32 @p2 $0x1082  }
0x22: {  	[simem:s7], [sflag:s8] =	dma.local @!p0 [hbm:s6], $0xF7A  }
0x23: {  	s9 =	sor.u32 $0xD0000000, s2;
	s6 =	simm.s32 $0x108;
	_ =	swait.ge @!p0 [sflag:s8], $0x0  }
0x24: {  	s3 =	sadd.s32 $0x88, s3;
	s6 =	simm.s32 @!p1 $0x1082;
	[sflag:s4] =	ssyncset.s32 $0xFFFFF086  }
0x25: {  	[simem:s6], [sflag:s4] =	dma.local [hbm:s3], $0xF7A  }
0x26: {  	[smem:$0x3F9B] =	sst s1;
	(tag) =	ssettag s2;
	_ =	strace s9  }
0x27: {  	s1 =	sld [smem:$0x3FAB]  }
0x28: {  	s2 =	sld [smem:$0x3FAC]  }
0x29: {  	s4 =	sld [smem:$0x3FAE]  }
0x2a: {  	p0 =	seq.s32 s5, $0x0;
	s5 =	sld [smem:$0x3FAF]  }
0x2b: {  	s6 =	sld [smem:$0x3FB0]  }
0x2c: {  	s7 =	sld [smem:$0x3FB1]  }
0x2d: {  	s3 =	simm.s32 $0x108;
	s8 =	sld [smem:$0x3FB2]  }
0x2e: {  	s3 =	simm.s32 @!p0 $0x1082;
	s9 =	sld [smem:$0x3FB3]  }
0x2f: {  	lr =	sadd.s32 s0, s3;
	s0 =	sld [smem:$0x3FAA]  }
0x30: {  	s3 =	sld [smem:$0x3FAD]  }
0x31: {  	[smem:$0x3FB6] =	sst s10  }
0x32: {  	s10 =	sld [smem:$0x3FB4];
	_ =	sdelay $0x3  }
0x33: {  	p0 =	seq.s32 s10, $0x1;
	s10 =	sld [smem:$0x3FB6];
	_ =	sdelay $0x3  }
0x34: {  	[smem:$0x3FB6] =	sst s10  }
0x35: {  	s10 =	sld [smem:$0x3FB5];
	_ =	sdelay $0x3  }
0x36: {  	p1 =	seq.s32 s10, $0x1;
	s10 =	sld [smem:$0x3FB6];
	_ =	sdelay $0x3  }
0x37: {  	[smem:$0x3FB6] =	sst s10  }
0x38: {  	s10 =	sld [smem:$0x3FB7]  }
0x39: {  	_ = 	snop;
	(pc) =	sbr.ind lr, $3  }
0x3a: {  	_ = 	snop  }
0x3b: {  	_ = 	snop  }
0x3c: {  	p2 =	seq.s32 s10, $0x1;
	s10 =	sld [smem:$0x3FB6]  }
0x3d: {  	_ =	shalt  }
0x3e: {  	_ =	shalt  }
0x3f: {  	_ =	shalt  }
0x40: {  	_ =	shalt  }
0x41: {  	_ =	shalt  }
0x42: {  	_ =	shalt  }
0x43: {  	_ =	shalt  }
0x44: {  	_ =	shalt  }
0x45: {  	_ =	shalt  }
0x46: {  	_ =	shalt  }
0x47: {  	_ =	shalt  }
0x48: {  	_ =	shalt  }
0x49: {  	_ =	shalt  }
0x4a: {  	_ =	shalt  }
0x4b: {  	_ =	shalt  }
0x4c: {  	_ =	shalt  }
0x4d: {  	_ =	shalt  }
0x4e: {  	_ =	shalt  }
0x4f: {  	_ =	shalt  }
0x50: {  	_ =	shalt  }
0x51: {  	_ =	shalt  }
0x52: {  	_ =	shalt  }
0x53: {  	_ =	shalt  }
0x54: {  	_ =	shalt  }
0x55: {  	_ =	shalt  }
0x56: {  	_ =	shalt  }
0x57: {  	_ =	shalt  }
0x58: {  	_ =	shalt  }
0x59: {  	_ =	shalt  }
0x5a: {  	_ =	shalt  }
0x5b: {  	_ =	shalt  }
0x5c: {  	_ =	shalt  }
0x5d: {  	_ =	shalt  }
0x5e: {  	_ =	shalt  }
0x5f: {  	_ =	shalt  }
0x60: {  	_ =	shalt  }
0x61: {  	_ =	shalt  }
0x62: {  	_ =	shalt  }
0x63: {  	_ =	shalt  }
0x64: {  	_ =	shalt  }
0x65: {  	_ =	shalt  }
0x66: {  	_ =	shalt  }
0x67: {  	_ =	shalt  }
0x68: {  	_ =	shalt  }
0x69: {  	_ =	shalt  }
0x6a: {  	_ =	shalt  }
0x6b: {  	_ =	shalt  }
0x6c: {  	_ =	shalt  }
0x6d: {  	_ =	shalt  }
0x6e: {  	_ =	shalt  }
0x6f: {  	_ =	shalt  }
0x70: {  	_ =	shalt  }
0x71: {  	_ =	shalt  }
0x72: {  	_ =	shalt  }
0x73: {  	_ =	shalt  }
0x74: {  	_ =	shalt  }
0x75: {  	_ =	shalt  }
0x76: {  	_ =	shalt  }
0x77: {  	_ =	shalt  }
0x78: {  	_ =	shalt  }
0x79: {  	_ =	shalt  }
0x7a: {  	_ =	shalt  }
0x7b: {  	_ =	shalt  }
0x7c: {  	_ =	shalt  }
0x7d: {  	_ =	shalt  }
0x7e: {  	_ =	shalt  }
0x7f: {  	_ =	shalt  }
0x80: {  	_ =	shalt  }
0x81: {  	_ =	shalt  }
0x82: {  	_ =	shalt  }
0x83: {  	_ =	shalt  }
0x84: {  	_ =	shalt  }
0x85: {  	_ =	shalt  }
0x86: {  	_ =	shalt  }
0x87: {  	_ =	shalt  }
.Lfunc_end0:
.L_simem_size_0:
called_computation_lowered:
.L_overlay_start_0:
0x88: {  	s2 =	sld [smem:$0x3FD9]  }
0x89: {  	s3 =	sld [smem:$0x3FFE];
	_ =	sdelay $0x1  }
0x8a: {  	s1 =	srdreg.scid  }
0x8b: {  	s0 =	sand.u32 $0x1, s1  }
0x8c: {  	s17 =	sshll.u32 s0, $0xA;
	s2 =	sadd.s32 s3, s2  }
0x8d: {  	s2 =	sadd.s32 s2, s17  }
0x8e: {  	[smem:$0x3FC2] =	sst s2  }
0x8f: {  	_ = 	snop  }
0x90: {  	s2 =	sld [smem:$0x3FD0];
	(tm) =	ssettm $0x1  }
0x91: {  	s18 =	sld [smem:$0x3FFB];
	_ =	sdelay $0x3  }
0x92: {  	_ =	strace s18  }
0x93: {  	s3 =	sld [smem:$0x3FFC];
	_ =	sdelay $0x3  }
0x94: {  	_ =	strace s3  }
0x95: {  	s3 =	sld [smem:$0x3FFD];
	_ =	sdelay $0x3  }
0x96: {  	_ =	strace s3  }
0x97: {  	_ =	strace $0x8FFFFFFF  }
0x98: {  	s19 =	sld [smem:$0x3FDB];
	_ =	sdelay $0x1  }
0x99: {  	s4 =	simm.s32 $_scs_section_size  }
0x9a: {  	s5 =	simm.s32 $_size__tile_overlayer_lowered;
	s6 =	simm.s32 $_tile_overlayer_lowered  }
0x9b: {  	s22 =	simm.s32 $0x1BFF;
	s21 =	sshll.u32 s6, $0x1;
	s3 =	sadd.s32 s4, s19  }
0x9c: {  	s7 =	simm.s32 $0x0;
	s20 =	sshll.u32 s5, $0x1;
	s5 =	sadd.s32 s21, s3  }
0x9d: {  	[timem:s7], [sflag:s22] =	dma.local [hbm:s5], s20  }
0x9e: {  	_ =	swait.ge [sflag:s22], s20  }
0x9f: {  	s4 =	ssub.s32 $0x0, s20;
	[sflag:s22] =	ssyncset.done $0x0  }
0xa0: {  	[sflag:s22] =	ssyncadd.s32 s4;
	_ =	sdelay $0x1  }
0xa1: {  	s23 =	simm.s32 $0x1B8B  }
0xa2: {  	_ =	swait.ge [sflag:s23], $0x1  }
0xa3: {  	[sflag:s23] =	ssyncset.done $0x0  }
0xa4: {  	s25 =	simm.s32 $0x1B8E;
	s24 =	sld [smem:$0x3FFE];
	[sflag:s23] =	ssyncadd.s32 $0xFFFFFFFF  }
0xa5: {  	s26 =	simm.s32 $execute0_lowered;
	[smem:$0x3FD2] =	sst s25  }
0xa6: {  	s5 =	sshll.u32 s26, $0x1;
	_ =	strace $0x80000046;
	[dreg:$0x1] =	wrdreg $0xFFFFFFFF  }
0xa7: {  	s28 =	simm.s32 $_size_execute0_lowered;
	s3 =	sadd.s32 s3, s5;
	[dreg:$0x0] =	wrdreg $0x0  }
0xa8: {  	s5 =	sshll.u32 s28, $0x1;
	[dreg:$0x2] =	wrdreg s3  }
0xa9: {  	[dreg:$0x3] =	wrdreg s5  }
0xaa: {  	[dreg:$0x4] =	wrdreg $0xC0  }
0xab: {  	_ =	task [dreg:s7], $0x5FFFF  }
0xac: {  	[dreg:$0x1] =	wrdreg $0xFFFFFFFF  }
0xad: {  	[dreg:$0x0] =	wrdreg $0x60  }
0xae: {  	[dreg:$0x2] =	wrdreg s2  }
0xaf: {  	[dreg:$0x3] =	wrdreg s24  }
0xb0: {  	[dreg:$0x4] =	wrdreg $0x9  }
0xb1: {  	_ =	task.clear_ibuf [dreg:s7], $0x5FFFF;
	_ =	strace $0x90000046  }
0xb2: {  	s29 =	simm.s32 $0x9;
	_ =	strace $0x80000048  }
0xb3: {  	_ =	swait.ge [sflag:s29], $0x1  }
0xb4: {  	[sflag:s29] =	ssyncadd.s32 $0xFFFFFFFF  }
0xb5: {  	_ =	strace $0x90000048  }
0xb6: {  	_ =	sfence  }
0xb7: {  	s30 =	sld [smem:$0x0];
	_ =	sdelay $0x2  }
0xb8: {  	s31 =	sshll.u32 s1, $0xD;
	s1 =	sshrl.u32 s1, $0x2  }
0xb9: {  	s3 =	sand.u32 $0x4000, s31;
	s1 =	sadd.s32 s1, s30  }
0xba: {  	s0 =	sor.u32 s3, s0;
	s1 =	sshll.u32 s1, $0x11  }
0xbb: {  	s0 =	sor.u32 s1, s0  }
0xbc: {  	s0 =	sadd.s32 $0x8F2B, s0  }
0xbd: {  	[sflag:s0] =	ssyncadd.remote.s32 $0x1  }
0xbe: {  	_ =	sfence.sel $0xFFFF  }
0xbf: {  	[dreg:$0x0] =	wrdreg $0xFFFFFFFF;
	(pc) =	sbr.abs _section_cstart, $3  }
0xc0: {  	[dreg:$0x1] =	wrdreg $0xFFFFFFFF  }
0xc1: {  	_ =	task.clear_ibuf [dreg:s7], $0x2FFFF;
	_ =	strace $0x9FFFFFFF  }
0xc2: {  	(tm) =	ssettm $0x7FFFFFFF  }
0xc3: {  	_ =	shalt  }
tec
execute0_lowered:
.L_overlay_start_1:
0x0: {  	(tag) =	ssettag $0x1  }
0x1: {  	s0 =	srdreg.scid  }
0x2: {  	s3 =	sand.u32 $0x1, s0  }
0x3: {  	s0 =	stileid.u32;
	s1 =	sshll.u32 s3, $0x4  }
0x4: {  	s5 =	rddreg [dreg:$0x0];
	s4 =	sor.u32 s0, s1  }
0x5: {  	s6 =	rddreg [dreg:$0x1];
	s2 =	simm.s32 $0x0;
	s1 =	sshrl.u32 s4, $0x3  }
0x6: {  	s9 =	simm.s32 $0x400;
	s8 =	sshll.u32 s0, $0x7;
	s7 =	smul.u32 $0x14000, s1  }
0x7: {  	s10 =	simm.s32 $0x0;
	s3 =	ssub.s32 $0x2, s3;
	s8 =	sand.u32 $0x380, s8  }
0x8: {  	[smem:$0x7FF] =	sst s2;
	s31 =	sshrl.u32 s3, $0x1;
	s7 =	sor.u32 s8, s7  }
0x9: {  	s4 =	smul.u32 $0x500, s4;
	s1 =	rddreg [dreg:$0x2];
	s7 =	sshrl.u32 s7, $0x3  }
0xa: {  	_ =	strace $0x80000047;
	s8 =	simm.s32 $0x80;
	s6 =	sadd.s32 s7, s6  }
0xb: {  	s7 =	ssub.s32 s3, s31;
	s3 =	sadd.s32 s5, s4;
	s4 =	sadd.s32 $0x2E00, s6  }
0xc: {  	v0 =	vimm.f32 $0.0e+00;
	v1 =	vimm.f32 $1.000000000e+00;
	s5 =	smax.u32 s7, $0x1;
	s6 =	simm.s32 $0x1;
	s7 =	simm.s32 $0x2800  }
.LBB2_1:
0xd: {  	[tilespmem:s2], [sflag:$0x1] =	stream.linear.gather [hbm4b:s3+s2], $0x2800, $0x38;
	[tilespmem:$0x5000] =	vst v63  }
0xe: {  	_ =	swait.ge [sflag:s6], $0x2800  }
0xf: {  	[sflag:s6] =	ssyncset.done $0x0  }
0x10: {  	s11 =	simm.s32 $0x0;
	[sflag:s6] =	ssyncadd.s32 $0xFFFFD800  }
.LBB2_2:
0x11: {  	p0 =	sne.s32 s11, $0x9FC0  }
.Ltmp0:
0x12: {  	_ = 	snop;
	(pc) =	sbr.rel @p0 .LBB2_2-.Ltmp0, $3  }
0x13: {  	_ =	sdelay $0x1  }
0x14: {  	s12 =	sshra.s32 s11, $0x2  }
0x15: {  	s11 =	sadd.s32 $0x40, s11;
	[tilespmem:s12+$0x2800] =	vst v0  }
0x16: {  	s11 =	simm.s32 $0x40  }
0x17: {  	v2 =	vld [tilespmem:s11+$0x30]  }
0x18: {  	v3 =	vld [tilespmem:s11+$0xFFFFFFD0]  }
0x19: {  	v4 =	vld [tilespmem:s11+$0xFFFFFFE0]  }
0x1a: {  	v5 =	vld [tilespmem:s11+$0xFFFFFFF0]  }
0x1b: {  	v6 =	vld [tilespmem:s11+$0x0]  }
0x1c: {  	v7 =	vld [tilespmem:s11+$0x10];
	v2 =	vshrl.u32 v2, $0x10  }
0x1d: {  	v3 =	vshrl.u32 v3, $0x10  }
0x1e: {  	v4 =	vshrl.u32 v4, $0x10  }
0x1f: {  	v8 =	vld [tilespmem:s11+$0x20];
	v5 =	vshrl.u32 v5, $0x10  }
0x20: {  	v9 =	vld [tilespmem:s11+$0xFFFFFFC0];
	v6 =	vshrl.u32 v6, $0x10  }
0x21: {  	v7 =	vshrl.u32 v7, $0x10;
	[tilespmem:v2+s7+$0x0] =	vst.idx.add.f32.msk $0xffff, v1  }
0x22: {  	[tilespmem:v3+s7+$0x0] =	vst.idx.add.f32.msk $0xffff, v1  }
0x23: {  	[tilespmem:v4+s7+$0x0] =	vst.idx.add.f32.msk $0xffff, v1  }
0x24: {  	[tilespmem:v5+s7+$0x0] =	vst.idx.add.f32.msk $0xffff, v1  }
0x25: {  	[tilespmem:v6+s7+$0x0] =	vst.idx.add.f32.msk $0xffff, v1  }
0x26: {  	s12 =	simm.s32 $0xC0;
	s11 =	simm.s32 $0x0;
	v2 =	vshrl.u32 v8, $0x10;
	v3 =	vshrl.u32 v9, $0x10;
	[tilespmem:v7+s7+$0x0] =	vst.idx.add.f32.msk $0xffff, v1  }
.LBB2_4:
0x27: {  	v4 =	vld [tilespmem:s12+$0x30];
	s11 =	sadd.s32 $0x8, s11  }
0x28: {  	v5 =	vld [tilespmem:s12+$0xFFFFFFD0];
	p0 =	slt.u32 s11, $0x278  }
0x29: {  	v6 =	vld [tilespmem:s12+$0xFFFFFFE0]  }
0x2a: {  	v7 =	vld [tilespmem:s12+$0xFFFFFFF0]  }
0x2b: {  	v8 =	vld [tilespmem:s12+$0x0]  }
0x2c: {  	v9 =	vld [tilespmem:s12+$0x10];
	v4 =	vshrl.u32 v4, $0x10  }
0x2d: {  	v5 =	vshrl.u32 v5, $0x10;
	v10 =	vld [tilespmem:s12+$0x20]  }
0x2e: {  	v11 =	vld [tilespmem:s12+$0xFFFFFFC0];
	v6 =	vshrl.u32 v6, $0x10  }
0x2f: {  	v7 =	vshrl.u32 v7, $0x10;
	[tilespmem:v3+s7+$0x0] =	vst.idx.add.f32.msk $0xffff, v1  }
0x30: {  	v8 =	vshrl.u32 v8, $0x10;
	[tilespmem:v2+s7+$0x0] =	vst.idx.add.f32.msk $0xffff, v1  }
0x31: {  	v9 =	vshrl.u32 v9, $0x10;
	[tilespmem:v4+s7+$0x0] =	vst.idx.add.f32.msk $0xffff, v1  }
.Ltmp1:
0x32: {  	[tilespmem:v5+s7+$0x0] =	vst.idx.add.f32.msk $0xffff, v1;
	v2 =	vshrl.u32 v10, $0x10;
	(pc) =	sbr.rel @p0 .LBB2_4-.Ltmp1, $4  }
0x33: {  	v3 =	vshrl.u32 v11, $0x10;
	[tilespmem:v6+s7+$0x0] =	vst.idx.add.f32.msk $0xffff, v1  }
0x34: {  	[tilespmem:v7+s7+$0x0] =	vst.idx.add.f32.msk $0xffff, v1  }
0x35: {  	[tilespmem:v8+s7+$0x0] =	vst.idx.add.f32.msk $0xffff, v1  }
0x36: {  	s12 =	sadd.s32 $0x80, s12;
	[tilespmem:v9+s7+$0x0] =	vst.idx.add.f32.msk $0xffff, v1  }
0x37: {  	_ =	sdelay $0x2  }
0x38: {  	s10 =	sadd.s32 $0x1, s10  }
0x39: {  	[tilespmem:v3+s7+$0x0] =	vst.idx.add.f32.msk $0xffff, v1;
	p0 =	sne.s32 s10, s5  }
.Ltmp2:
0x3a: {  	[tilespmem:v2+s7+$0x0] =	vst.idx.add.f32.msk $0xffff, v1;
	(pc) =	sbr.rel @p0 .LBB2_1-.Ltmp2, $4  }
0x3b: {  	[hbm4b:s4+s8] =	stream.strided.scatter [tilespmem:s7], [sflag:$0x1], $0x2800, s9, s8, $0x38;
	[tilespmem:$0x5000] =	vst v63  }
0x3c: {  	_ =	swait.ge [sflag:s6], $0x2800  }
0x3d: {  	[sflag:s6] =	ssyncset.done $0x0  }
0x3e: {  	[sflag:s6] =	ssyncadd.s32 $0xFFFFD800  }
0x3f: {  	_ =	sfence.sel $0x180000  }
0x40: {  	[bflag:$0x0] =	sbarrier.arrive $0xFFFF  }
0x41: {  	p0 =	sne.s32 s0, $0x0;
	_ =	strace $0x90000047  }
0x42: {  	s0 =	sadd.s32 @!p0 $0x100000, s1;
	[bflag:$0x2] =	sbarrier.arrive $0xFFFF  }
0x43: {  	[sflag:s0] =	ssyncadd.tile.s32 @!p0 $0x1;
	_ =	shalt  }
.Lfunc_end2:
_tile_overlayer_lowered:
.L_overlay_start_2:
0x44: {  	(tag) =	ssettag $0x2  }
0x45: {  	s0 =	rddreg [dreg:$0x0];
	s2 =	stileid.u32  }
0x46: {  	s1 =	rddreg [dreg:$0x1];
	p0 =	sne.s32 s2, $0x0  }
0x47: {  	s3 =	rddreg [dreg:$0x2];
	[bflag:$0x3] =	sbarrier.arrive $0xFFFF;
	s2 =	simm.s32 @!p0 $0x1C01  }
0x48: {  	[timem:s3], [sflag:s2] =	dma.local @!p0 [hbm:s0], s1  }
0x49: {  	s0 =	simm.s32 @!p0 $0x1  }
0x4a: {  	_ =	swait.ge @!p0 [sflag:s0], s1  }
0x4b: {  	s1 =	ssub.s32 @!p0 $0x0, s1;
	[sflag:s0] =	ssyncset.done @!p0 $0x0  }
0x4c: {  	[sflag:s0] =	ssyncadd.s32 @!p0 s1  }
0x4d: {  	[bflag:$0x3] =	sbarrier.arrive $0xFFFF  }
0x4e: {  	_ =	shalt  }

// kernel: kernel.13.cloned.1.call-start
scs
__scs_entry_jumppad:
0x0: {  	(pc) =	sbr.rel $0x88, $3  }
0x1: {  	(tag) =	ssettag $0x0;
	lr =	simm.s32 $0x1  }
0x2: {  	[smem:$0x3F9B] =	sst lr;
	_ =	strace $0xD0000000  }
0x3: {  	_ = 	snop  }
0x4: {  	_ = 	snop  }
0x5: {  	_ = 	snop  }
0x6: {  	_ = 	snop  }
0x7: {  	_ = 	snop  }
__scs_overlays_trampoline_lowered:
0x8: {  	[smem:$0x3FAA] =	sst s0  }
0x9: {  	[smem:$0x3FAB] =	sst s1  }
0xa: {  	[smem:$0x3FAC] =	sst s2  }
0xb: {  	[smem:$0x3FAD] =	sst s3  }
0xc: {  	[smem:$0x3FAE] =	sst s4  }
0xd: {  	[smem:$0x3FAF] =	sst s5  }
0xe: {  	[smem:$0x3FB0] =	sst s6  }
0xf: {  	[smem:$0x3FB1] =	sst s7  }
0x10: {  	[smem:$0x3FB2] =	sst s8  }
0x11: {  	[smem:$0x3FB3] =	sst s9;
	s0 =	simm.s32 @!p0 $0x0  }
0x12: {  	s1 =	sld [smem:$0x3F99];
	s0 =	simm.s32 @p0 $0x1  }
0x13: {  	[smem:$0x3FB4] =	sst s0;
	s0 =	simm.s32 @!p1 $0x0  }
0x14: {  	s2 =	sld [smem:$0x3F98];
	s0 =	simm.s32 @p1 $0x1  }
0x15: {  	[smem:$0x3FB5] =	sst s0;
	s0 =	simm.s32 @!p2 $0x0  }
0x16: {  	s3 =	sld [smem:$0x3FDB];
	s0 =	simm.s32 @p2 $0x1  }
0x17: {  	s4 =	simm.s32 $0x1BF5;
	[smem:$0x3FB7] =	sst s0  }
0x18: {  	s0 =	sld [smem:$0x3F9A];
	_ =	swait.ge [sflag:s4], $0x0  }
0x19: {  	s7 =	sld [smem:$0x3F9B]  }
0x1a: {  	s8 =	sadd.s32 $0xFFFFE003, lr  }
0x1b: {  	s9 =	sadd.s32 $0xFFFFFEF7, lr;
	s5 =	simm.s32 $0xFFFFFFFF;
	p2 =	slt.u32 s8, $0xFFFFF086  }
0x1c: {  	p1 =	slt.u32 s9, $0xF7A;
	s5 =	simm.s32 @!p2 $0x0  }
0x1d: {  	s5 =	simm.s32 @p1 $0x1;
	p0 =	seq.s32 s7, s2  }
0x1e: {  	s7 =	smul.u32 @!p0 $0xF7A, s2;
	p2 =	seq.s32 @!p0 s5, $0x0  }
0x1f: {  	s9 =	smul.u32 $0xF7A, s1;
	s8 =	simm.s32 @!p0 $0x1BF5;
	p2 =	por !p2, p0  }
0x20: {  	[sflag:s8] =	ssyncset.s32 @!p0 $0xFFFFF086;
	s6 =	sadd.s32 @!p0 s3, s7;
	s7 =	simm.s32 @!p0 $0x108  }
0x21: {  	s3 =	sadd.s32 s3, s9;
	s6 =	sadd.s32 @!p0 $0x88, s6;
	s7 =	simm.s32 @p2 $0x1082  }
0x22: {  	[simem:s7], [sflag:s8] =	dma.local @!p0 [hbm:s6], $0xF7A  }
0x23: {  	s9 =	sor.u32 $0xD0000000, s2;
	s6 =	simm.s32 $0x108;
	_ =	swait.ge @!p0 [sflag:s8], $0x0  }
0x24: {  	s3 =	sadd.s32 $0x88, s3;
	s6 =	simm.s32 @!p1 $0x1082;
	[sflag:s4] =	ssyncset.s32 $0xFFFFF086  }
0x25: {  	[simem:s6], [sflag:s4] =	dma.local [hbm:s3], $0xF7A  }
0x26: {  	[smem:$0x3F9B] =	sst s1;
	(tag) =	ssettag s2;
	_ =	strace s9  }
0x27: {  	s1 =	sld [smem:$0x3FAB]  }
0x28: {  	s2 =	sld [smem:$0x3FAC]  }
0x29: {  	s4 =	sld [smem:$0x3FAE]  }
0x2a: {  	p0 =	seq.s32 s5, $0x0;
	s5 =	sld [smem:$0x3FAF]  }
0x2b: {  	s6 =	sld [smem:$0x3FB0]  }
0x2c: {  	s7 =	sld [smem:$0x3FB1]  }
0x2d: {  	s3 =	simm.s32 $0x108;
	s8 =	sld [smem:$0x3FB2]  }
0x2e: {  	s3 =	simm.s32 @!p0 $0x1082;
	s9 =	sld [smem:$0x3FB3]  }
0x2f: {  	lr =	sadd.s32 s0, s3;
	s0 =	sld [smem:$0x3FAA]  }
0x30: {  	s3 =	sld [smem:$0x3FAD]  }
0x31: {  	[smem:$0x3FB6] =	sst s10  }
0x32: {  	s10 =	sld [smem:$0x3FB4];
	_ =	sdelay $0x3  }
0x33: {  	p0 =	seq.s32 s10, $0x1;
	s10 =	sld [smem:$0x3FB6];
	_ =	sdelay $0x3  }
0x34: {  	[smem:$0x3FB6] =	sst s10  }
0x35: {  	s10 =	sld [smem:$0x3FB5];
	_ =	sdelay $0x3  }
0x36: {  	p1 =	seq.s32 s10, $0x1;
	s10 =	sld [smem:$0x3FB6];
	_ =	sdelay $0x3  }
0x37: {  	[smem:$0x3FB6] =	sst s10  }
0x38: {  	s10 =	sld [smem:$0x3FB7]  }
0x39: {  	_ = 	snop;
	(pc) =	sbr.ind lr, $3  }
0x3a: {  	_ = 	snop  }
0x3b: {  	_ = 	snop  }
0x3c: {  	p2 =	seq.s32 s10, $0x1;
	s10 =	sld [smem:$0x3FB6]  }
0x3d: {  	_ =	shalt  }
0x3e: {  	_ =	shalt  }
0x3f: {  	_ =	shalt  }
0x40: {  	_ =	shalt  }
0x41: {  	_ =	shalt  }
0x42: {  	_ =	shalt  }
0x43: {  	_ =	shalt  }
0x44: {  	_ =	shalt  }
0x45: {  	_ =	shalt  }
0x46: {  	_ =	shalt  }
0x47: {  	_ =	shalt  }
0x48: {  	_ =	shalt  }
0x49: {  	_ =	shalt  }
0x4a: {  	_ =	shalt  }
0x4b: {  	_ =	shalt  }
0x4c: {  	_ =	shalt  }
0x4d: {  	_ =	shalt  }
0x4e: {  	_ =	shalt  }
0x4f: {  	_ =	shalt  }
0x50: {  	_ =	shalt  }
0x51: {  	_ =	shalt  }
0x52: {  	_ =	shalt  }
0x53: {  	_ =	shalt  }
0x54: {  	_ =	shalt  }
0x55: {  	_ =	shalt  }
0x56: {  	_ =	shalt  }
0x57: {  	_ =	shalt  }
0x58: {  	_ =	shalt  }
0x59: {  	_ =	shalt  }
0x5a: {  	_ =	shalt  }
0x5b: {  	_ =	shalt  }
0x5c: {  	_ =	shalt  }
0x5d: {  	_ =	shalt  }
0x5e: {  	_ =	shalt  }
0x5f: {  	_ =	shalt  }
0x60: {  	_ =	shalt  }
0x61: {  	_ =	shalt  }
0x62: {  	_ =	shalt  }
0x63: {  	_ =	shalt  }
0x64: {  	_ =	shalt  }
0x65: {  	_ =	shalt  }
0x66: {  	_ =	shalt  }
0x67: {  	_ =	shalt  }
0x68: {  	_ =	shalt  }
0x69: {  	_ =	shalt  }
0x6a: {  	_ =	shalt  }
0x6b: {  	_ =	shalt  }
0x6c: {  	_ =	shalt  }
0x6d: {  	_ =	shalt  }
0x6e: {  	_ =	shalt  }
0x6f: {  	_ =	shalt  }
0x70: {  	_ =	shalt  }
0x71: {  	_ =	shalt  }
0x72: {  	_ =	shalt  }
0x73: {  	_ =	shalt  }
0x74: {  	_ =	shalt  }
0x75: {  	_ =	shalt  }
0x76: {  	_ =	shalt  }
0x77: {  	_ =	shalt  }
0x78: {  	_ =	shalt  }
0x79: {  	_ =	shalt  }
0x7a: {  	_ =	shalt  }
0x7b: {  	_ =	shalt  }
0x7c: {  	_ =	shalt  }
0x7d: {  	_ =	shalt  }
0x7e: {  	_ =	shalt  }
0x7f: {  	_ =	shalt  }
0x80: {  	_ =	shalt  }
0x81: {  	_ =	shalt  }
0x82: {  	_ =	shalt  }
0x83: {  	_ =	shalt  }
0x84: {  	_ =	shalt  }
0x85: {  	_ =	shalt  }
0x86: {  	_ =	shalt  }
0x87: {  	_ =	shalt  }
.Lfunc_end0:
.L_simem_size_0:
called_computation.1_lowered:
.L_overlay_start_0:
0x88: {  	s2 =	sld [smem:$0x3FD9]  }
0x89: {  	s3 =	sld [smem:$0x3FFE];
	_ =	sdelay $0x1  }
0x8a: {  	s1 =	srdreg.scid  }
0x8b: {  	s0 =	sand.u32 $0x1, s1  }
0x8c: {  	s17 =	sshll.u32 s0, $0xA;
	s2 =	sadd.s32 s3, s2  }
0x8d: {  	s2 =	sadd.s32 s2, s17  }
0x8e: {  	[smem:$0x3FC2] =	sst s2  }
0x8f: {  	_ = 	snop  }
0x90: {  	s2 =	sld [smem:$0x3FD0];
	(tm) =	ssettm $0x1  }
0x91: {  	s18 =	sld [smem:$0x3FFB];
	_ =	sdelay $0x3  }
0x92: {  	_ =	strace s18  }
0x93: {  	s3 =	sld [smem:$0x3FFC];
	_ =	sdelay $0x3  }
0x94: {  	_ =	strace s3  }
0x95: {  	s3 =	sld [smem:$0x3FFD];
	_ =	sdelay $0x3  }
0x96: {  	_ =	strace s3  }
0x97: {  	_ =	strace $0x8FFFFFFF  }
0x98: {  	s19 =	sld [smem:$0x3FDB];
	_ =	sdelay $0x1  }
0x99: {  	s4 =	simm.s32 $_scs_section_size  }
0x9a: {  	s5 =	simm.s32 $_size__tile_overlayer_lowered;
	s6 =	simm.s32 $_tile_overlayer_lowered  }
0x9b: {  	s22 =	simm.s32 $0x1BFF;
	s21 =	sshll.u32 s6, $0x1;
	s3 =	sadd.s32 s4, s19  }
0x9c: {  	s7 =	simm.s32 $0x0;
	s20 =	sshll.u32 s5, $0x1;
	s5 =	sadd.s32 s21, s3  }
0x9d: {  	[timem:s7], [sflag:s22] =	dma.local [hbm:s5], s20  }
0x9e: {  	_ =	swait.ge [sflag:s22], s20  }
0x9f: {  	s4 =	ssub.s32 $0x0, s20;
	[sflag:s22] =	ssyncset.done $0x0  }
0xa0: {  	[sflag:s22] =	ssyncadd.s32 s4;
	_ =	sdelay $0x1  }
0xa1: {  	s23 =	simm.s32 $0x1B8B  }
0xa2: {  	_ =	swait.ge [sflag:s23], $0x1  }
0xa3: {  	[sflag:s23] =	ssyncset.done $0x0  }
0xa4: {  	s25 =	simm.s32 $0x1B8E;
	s24 =	sld [smem:$0x3FFE];
	[sflag:s23] =	ssyncadd.s32 $0xFFFFFFFF  }
0xa5: {  	s26 =	simm.s32 $execute0_lowered;
	[smem:$0x3FD2] =	sst s25  }
0xa6: {  	s5 =	sshll.u32 s26, $0x1;
	_ =	strace $0x80000049;
	[dreg:$0x1] =	wrdreg $0xFFFFFFFF  }
0xa7: {  	s28 =	simm.s32 $_size_execute0_lowered;
	s3 =	sadd.s32 s3, s5;
	[dreg:$0x0] =	wrdreg $0x0  }
0xa8: {  	s5 =	sshll.u32 s28, $0x1;
	[dreg:$0x2] =	wrdreg s3  }
0xa9: {  	[dreg:$0x3] =	wrdreg s5  }
0xaa: {  	[dreg:$0x4] =	wrdreg $0xC0  }
0xab: {  	_ =	task [dreg:s7], $0x5FFFF  }
0xac: {  	[dreg:$0x1] =	wrdreg $0xFFFFFFFF  }
0xad: {  	[dreg:$0x0] =	wrdreg $0x60  }
0xae: {  	[dreg:$0x2] =	wrdreg s24  }
0xaf: {  	[dreg:$0x3] =	wrdreg s2  }
0xb0: {  	[dreg:$0x4] =	wrdreg $0x9  }
0xb1: {  	_ =	task.clear_ibuf [dreg:s7], $0x5FFFF;
	_ =	strace $0x90000049  }
0xb2: {  	s29 =	simm.s32 $0x9;
	_ =	strace $0x8000004B  }
0xb3: {  	_ =	swait.ge [sflag:s29], $0x1  }
0xb4: {  	[sflag:s29] =	ssyncadd.s32 $0xFFFFFFFF  }
0xb5: {  	_ =	strace $0x9000004B  }
0xb6: {  	_ =	sfence  }
0xb7: {  	s30 =	sld [smem:$0x0];
	_ =	sdelay $0x2  }
0xb8: {  	s31 =	sshll.u32 s1, $0xD;
	s1 =	sshrl.u32 s1, $0x2  }
0xb9: {  	s3 =	sand.u32 $0x4000, s31;
	s1 =	sadd.s32 s1, s30  }
0xba: {  	s0 =	sor.u32 s3, s0;
	s1 =	sshll.u32 s1, $0x11  }
0xbb: {  	s0 =	sor.u32 s1, s0  }
0xbc: {  	s0 =	sadd.s32 $0x8F2B, s0  }
0xbd: {  	[sflag:s0] =	ssyncadd.remote.s32 $0x1  }
0xbe: {  	_ =	sfence.sel $0xFFFF  }
0xbf: {  	[dreg:$0x0] =	wrdreg $0xFFFFFFFF;
	(pc) =	sbr.abs _section_cstart, $3  }
0xc0: {  	[dreg:$0x1] =	wrdreg $0xFFFFFFFF  }
0xc1: {  	_ =	task.clear_ibuf [dreg:s7], $0x2FFFF;
	_ =	strace $0x9FFFFFFF  }
0xc2: {  	(tm) =	ssettm $0x7FFFFFFF  }
0xc3: {  	_ =	shalt  }
tec
execute0_lowered:
.L_overlay_start_1:
0x0: {  	(tag) =	ssettag $0x1  }
0x1: {  	s1 =	srdreg.scid;
	s0 =	stileid.u32  }
0x2: {  	s5 =	rddreg [dreg:$0x0];
	s8 =	simm.s32 $0x200;
	s9 =	simm.s32 $0x400  }
0x3: {  	s10 =	simm.s32 $0x2800;
	s11 =	simm.s32 $0x3;
	s4 =	sand.u32 $0x1, s1  }
0x4: {  	s12 =	simm.s32 $0x1400;
	s2 =	sshll.u32 s0, $0x2;
	s1 =	sshll.u32 s4, $0x6  }
0x5: {  	s13 =	simm.s32 $0x1;
	s14 =	simm.s32 $0xC800;
	s1 =	sor.u32 s2, s1  }
0x6: {  	s15 =	simm.s32 $0x2;
	s16 =	simm.s32 $0x0;
	s1 =	sshrl.u32 s1, $0x3  }
0x7: {  	s30 =	sshll.u32 s0, $0x9;
	s4 =	ssub.s32 $0x2, s4;
	s3 =	smul.u32 $0x14000, s1  }
0x8: {  	s6 =	sand.u32 $0x200, s30;
	s2 =	rddreg [dreg:$0x1];
	s31 =	sshrl.u32 s4, $0x1  }
0x9: {  	s1 =	rddreg [dreg:$0x2];
	s6 =	sor.u32 s6, s3;
	s3 =	simm.s32 $0x0  }
0xa: {  	s7 =	ssub.s32 s4, s31;
	s6 =	sshrl.u32 s6, $0x3;
	[smem:$0x7FF] =	sst s3  }
0xb: {  	s7 =	smax.u32 s7, $0x1;
	s6 =	sadd.s32 s6, s5;
	_ =	strace $0x8000004A  }
0xc: {  	v0 =	vimm.f32 $0.0e+00;
	s5 =	sadd.s32 $0x280, s2;
	s4 =	sadd.s32 $0x2E00, s6;
	s6 =	sadd.s32 $0x2AE00, s6  }
.LBB2_1:
0xd: {  	[tilespmem:s10], [sflag:$0x3] =	stream.strided.gather [hbm4b:s4+s8], $0xA000, s9, s8, $0x38;
	[tilespmem:$0x16800] =	vst v63  }
0xe: {  	_ =	swait.ge [sflag:s11], $0xA000  }
0xf: {  	s17 =	sand.u32 $0x70, s3;
	s18 =	sand.u32 $0xFE00, s3;
	[sflag:s11] =	ssyncset.done $0x0  }
0x10: {  	s19 =	sor.u32 s17, s18;
	[sflag:s11] =	ssyncadd.s32 $0xFFFF6000  }
0x11: {  	[tilespmem:s19+$0xC980] =	vst v0  }
0x12: {  	[tilespmem:s19+$0xC800] =	vst v0  }
0x13: {  	s17 =	simm.s32 $0x10;
	s18 =	simm.s32 $0x0;
	[tilespmem:s19+$0xC880] =	vst v0  }
.LBB2_2:
0x14: {  	s20 =	sand.u32 $0x70, s17;
	[tilespmem:s19+$0xC900] =	vst v0;
	s18 =	sadd.s32 $0x40, s18;
	p0 =	sne.s32 s17, $0x27F0  }
.Ltmp0:
0x15: {  	s17 =	sadd.s32 $0x10, s17;
	s19 =	sand.u32 $0xFE00, s18;
	(pc) =	sbr.rel @p0 .LBB2_2-.Ltmp0, $4  }
0x16: {  	s19 =	sor.u32 s20, s19  }
0x17: {  	[tilespmem:s19+$0xC980] =	vst v0  }
0x18: {  	[tilespmem:s19+$0xC800] =	vst v0  }
0x19: {  	[tilespmem:s19+$0xC880] =	vst v0  }
0x1a: {  	[tilespmem:s19+$0xC900] =	vst v0;
	s17 =	simm.s32 $0x0  }
0x1b: {  	[tilespmem:s17], [sflag:$0x1] =	stream.linear.gather [hbm4b:s2+s17], $0x1400, $0x38;
	[tilespmem:$0x16800] =	vst v63  }
0x1c: {  	_ = 	snop  }
0x1d: {  	[tilespmem:s12], [sflag:$0x2] =	stream.linear.gather [hbm4b:s5+s17], $0x1400, $0x38;
	[tilespmem:$0x16800] =	vst v63  }
.LBB2_4:
0x1e: {  	_ =	swait.ge [sflag:s13], $0x1400  }
0x1f: {  	[sflag:s13] =	ssyncset.done $0x0  }
0x20: {  	s18 =	simm.s32 $0x20;
	[sflag:s13] =	ssyncadd.s32 $0xFFFFEC00  }
0x21: {  	v2 =	vld [tilespmem:s18+$0x10]  }
0x22: {  	v3 =	vld [tilespmem:s18+$0xFFFFFFF0]  }
0x23: {  	v4 =	vld [tilespmem:s18+$0xFFFFFFE0];
	_ =	sdelay $0x1  }
0x24: {  	v6 =	vld [tilespmem:s18+$0x0]  }
0x25: {  	v1 =	vshll.u32 v2, $0x2  }
0x26: {  	v5 =	vand.u32 $0x7F, v2;
	v1 =	vand.u32 $0x3FE00, v1  }
0x27: {  	v7 =	vshll.u32 v3, $0x2;
	v8 =	vand.u32 $0x7F, v4;
	v5 =	vor.u32 v5, v1  }
0x28: {  	v9 =	vshll.u32 v4, $0x2;
	v1 =	vand.u32 $0x3FE00, v7;
	v7 =	vand.u32 $0x7F, v3  }
0x29: {  	v10 =	vand.u32 $0x7F, v6;
	v1 =	vor.u32 v7, v1;
	v7 =	vand.u32 $0x3FE00, v9  }
0x2a: {  	v9 =	vshrl.u32 v2, $0x10;
	v2 =	vshrl.u32 v2, $0xE;
	v7 =	vor.u32 v8, v7  }
0x2b: {  	v8 =	vand.u32 $0x7F, v9;
	v2 =	vand.u32 $0x3FE00, v2;
	v9 =	vshll.u32 v6, $0x2  }
0x2c: {  	v12 =	vor.u32 $0x80, v5;
	v2 =	vor.u32 v8, v2;
	v8 =	vand.u32 $0x3FE00, v9;
	v11 =	vld.idx.msk [tilespmem:v5+s10+$0x0], $0xffff  }
0x2d: {  	s31 =	simm.s32 $0x60;
	v9 =	vshrl.u32 v4, $0x10;
	v4 =	vshrl.u32 v4, $0xE;
	v8 =	vor.u32 v10, v8  }
0x2e: {  	v17 =	vld [tilespmem:s31+$0x0];
	v10 =	vshrl.u32 v3, $0x10;
	v3 =	vshrl.u32 v3, $0xE;
	v9 =	vand.u32 $0x7F, v9  }
0x2f: {  	v4 =	vand.u32 $0x3FE00, v4;
	v10 =	vand.u32 $0x7F, v10;
	v3 =	vand.u32 $0x3FE00, v3;
	v13 =	vld.idx.msk [tilespmem:v1+s10+$0x0], $0xffff  }
0x30: {  	v4 =	vor.u32 v9, v4;
	v9 =	vor.u32 v10, v3;
	v14 =	vld.idx.msk [tilespmem:v7+s10+$0x0], $0xffff  }
0x31: {  	[tilespmem:v2+s14+$0x0] =	vst.idx.add.f32.msk $0xffff, v11  }
0x32: {  	v3 =	vshrl.u32 v6, $0x10;
	v6 =	vshrl.u32 v6, $0xE;
	v11 =	vor.u32 $0x80, v2;
	v10 =	vld.idx.msk [tilespmem:v12+s10+$0x0], $0xffff  }
0x33: {  	v19 =	vld [tilespmem:s31+$0xFFFFFFE0];
	v3 =	vand.u32 $0x7F, v3;
	v6 =	vand.u32 $0x3FE00, v6;
	v12 =	vor.u32 $0x100, v5  }
0x34: {  	v6 =	vor.u32 v3, v6;
	v3 =	vor.u32 $0x80, v7;
	v15 =	vld.idx.msk [tilespmem:v8+s10+$0x0], $0xffff  }
0x35: {  	[tilespmem:v9+s14+$0x0] =	vst.idx.add.f32.msk $0xffff, v13  }
0x36: {  	v13 =	vor.u32 $0x80, v8;
	[tilespmem:v4+s14+$0x0] =	vst.idx.add.f32.msk $0xffff, v14  }
0x37: {  	v14 =	vor.u32 $0x80, v1;
	[tilespmem:v11+s14+$0x0] =	vst.idx.add.f32.msk $0xffff, v10  }
0x38: {  	v11 =	vor.u32 $0x100, v2;
	v10 =	vld.idx.msk [tilespmem:v12+s10+$0x0], $0xffff  }
0x39: {  	v3 =	vld.idx.msk [tilespmem:v3+s10+$0x0], $0xffff  }
0x3a: {  	v5 =	vor.u32 $0x180, v5;
	[tilespmem:v6+s14+$0x0] =	vst.idx.add.f32.msk $0xffff, v15  }
0x3b: {  	v13 =	vld.idx.msk [tilespmem:v13+s10+$0x0], $0xffff  }
0x3c: {  	v18 =	vor.u32 $0x80, v6;
	v12 =	vld.idx.msk [tilespmem:v14+s10+$0x0], $0xffff  }
0x3d: {  	v14 =	vor.u32 $0x80, v9;
	[tilespmem:v11+s14+$0x0] =	vst.idx.add.f32.msk $0xffff, v10  }
0x3e: {  	v10 =	vor.u32 $0x80, v4;
	v11 =	vld [tilespmem:s31+$0x10]  }
0x3f: {  	v2 =	vor.u32 $0x180, v2;
	v5 =	vld.idx.msk [tilespmem:v5+s10+$0x0], $0xffff  }
0x40: {  	v16 =	vor.u32 $0x100, v7;
	v15 =	vld [tilespmem:s31+$0xFFFFFFF0]  }
0x41: {  	[tilespmem:v18+s14+$0x0] =	vst.idx.add.f32.msk $0xffff, v13  }
0x42: {  	[tilespmem:v14+s14+$0x0] =	vst.idx.add.f32.msk $0xffff, v12  }
0x43: {  	v20 =	vor.u32 $0x100, v1;
	v21 =	vor.u32 $0x100, v8;
	v7 =	vor.u32 $0x180, v7;
	[tilespmem:v10+s14+$0x0] =	vst.idx.add.f32.msk $0xffff, v3  }
0x44: {  	v13 =	vshll.u32 v19, $0x2;
	v18 =	vor.u32 $0x100, v9;
	v3 =	vshll.u32 v11, $0x2;
	[tilespmem:v2+s14+$0x0] =	vst.idx.add.f32.msk $0xffff, v5  }
0x45: {  	v14 =	vor.u32 $0x100, v4;
	v12 =	vand.u32 $0x7F, v11;
	v3 =	vand.u32 $0x3FE00, v3;
	v5 =	vld.idx.msk [tilespmem:v16+s10+$0x0], $0xffff  }
0x46: {  	v13 =	vand.u32 $0x3FE00, v13;
	v10 =	vshll.u32 v15, $0x2;
	v3 =	vor.u32 v12, v3  }
0x47: {  	v2 =	vand.u32 $0x3FE00, v10;
	v10 =	vshll.u32 v17, $0x2;
	v12 =	vand.u32 $0x7F, v15  }
0x48: {  	v16 =	vand.u32 $0x7F, v17;
	v10 =	vand.u32 $0x3FE00, v10;
	v22 =	vor.u32 v12, v2;
	v2 =	vld.idx.msk [tilespmem:v20+s10+$0x0], $0xffff  }
0x49: {  	v12 =	vand.u32 $0x7F, v19;
	v23 =	vor.u32 v16, v10;
	v10 =	vld.idx.msk [tilespmem:v21+s10+$0x0], $0xffff;
	v20 =	vor.u32 $0x100, v6  }
0x4a: {  	v12 =	vor.u32 v12, v13;
	v13 =	vshrl.u32 v11, $0x10;
	v11 =	vshrl.u32 v11, $0xE;
	[tilespmem:v14+s14+$0x0] =	vst.idx.add.f32.msk $0xffff, v5  }
0x4b: {  	v21 =	vshrl.u32 v17, $0x10;
	v13 =	vand.u32 $0x7F, v13;
	v11 =	vand.u32 $0x3FE00, v11;
	v16 =	vld.idx.msk [tilespmem:v3+s10+$0x0], $0xffff  }
0x4c: {  	v17 =	vshrl.u32 v17, $0xE;
	v24 =	vor.u32 v13, v11;
	v5 =	vshrl.u32 v19, $0x10;
	v7 =	vld.idx.msk [tilespmem:v7+s10+$0x0], $0xffff  }
0x4d: {  	v11 =	vshrl.u32 v19, $0xE;
	v19 =	vshrl.u32 v15, $0x10;
	v15 =	vshrl.u32 v15, $0xE;
	v13 =	vld.idx.msk [tilespmem:v22+s10+$0x0], $0xffff  }
0x4e: {  	v14 =	vor.u32 $0x80, v3;
	v19 =	vand.u32 $0x7F, v19;
	v15 =	vand.u32 $0x3FE00, v15;
	v25 =	vld.idx.msk [tilespmem:v23+s10+$0x0], $0xffff  }
0x4f: {  	v5 =	vand.u32 $0x7F, v5;
	v11 =	vand.u32 $0x3FE00, v11;
	v27 =	vor.u32 v19, v15;
	[tilespmem:v18+s14+$0x0] =	vst.idx.add.f32.msk $0xffff, v2  }
0x50: {  	v17 =	vand.u32 $0x3FE00, v17;
	v5 =	vor.u32 v5, v11;
	v11 =	vand.u32 $0x7F, v21;
	v26 =	vld.idx.msk [tilespmem:v12+s10+$0x0], $0xffff  }
0x51: {  	[tilespmem:v20+s14+$0x0] =	vst.idx.add.f32.msk $0xffff, v10;
	v11 =	vor.u32 v11, v17  }
0x52: {  	v17 =	vor.u32 $0x180, v1;
	[tilespmem:v24+s14+$0x0] =	vst.idx.add.f32.msk $0xffff, v16  }
0x53: {  	v10 =	vor.u32 $0x80, v12;
	v14 =	vld.idx.msk [tilespmem:v14+s10+$0x0], $0xffff  }
0x54: {  	v15 =	vor.u32 $0x80, v24;
	[tilespmem:v27+s14+$0x0] =	vst.idx.add.f32.msk $0xffff, v13  }
0x55: {  	v2 =	vor.u32 $0x100, v3;
	[tilespmem:v5+s14+$0x0] =	vst.idx.add.f32.msk $0xffff, v26  }
0x56: {  	v16 =	vor.u32 $0x80, v22;
	[tilespmem:v11+s14+$0x0] =	vst.idx.add.f32.msk $0xffff, v25  }
0x57: {  	v8 =	vor.u32 $0x180, v8;
	v17 =	vld.idx.msk [tilespmem:v17+s10+$0x0], $0xffff  }
0x58: {  	v13 =	vor.u32 $0x80, v23;
	v62 =	vld.idx.msk [tilespmem:v10+s10+$0x0], $0xffff  }
0x59: {  	v30 =	vor.u32 $0x80, v5;
	[tilespmem:v15+s14+$0x0] =	vst.idx.add.f32.msk $0xffff, v14  }
0x5a: {  	v63 =	vor.u32 $0x100, v24;
	v21 =	vld.idx.msk [tilespmem:v2+s10+$0x0], $0xffff  }
0x5b: {  	v29 =	vor.u32 $0x180, v3;
	v28 =	vld.idx.msk [tilespmem:v16+s10+$0x0], $0xffff  }
0x5c: {  	v3 =	vor.u32 $0x180, v4;
	v19 =	vor.u32 $0x100, v12;
	v31 =	vor.u32 $0x80, v27;
	v16 =	vld.idx.msk [tilespmem:v8+s10+$0x0], $0xffff  }
0x5d: {  	v4 =	vor.u32 $0x180, v23;
	v1 =	vor.u32 $0x180, v9;
	v9 =	vor.u32 $0x180, v12;
	v20 =	vld.idx.msk [tilespmem:v13+s10+$0x0], $0xffff  }
0x5e: {  	v12 =	vor.u32 $0x180, v5;
	v18 =	vor.u32 $0x80, v11;
	v10 =	vor.u32 $0x100, v5;
	[tilespmem:v30+s14+$0x0] =	vst.idx.add.f32.msk $0xffff, v62  }
0x5f: {  	v5 =	vor.u32 $0x180, v22;
	v8 =	vor.u32 $0x100, v27;
	v14 =	vor.u32 $0x100, v22;
	[tilespmem:v63+s14+$0x0] =	vst.idx.add.f32.msk $0xffff, v21  }
0x60: {  	v15 =	vor.u32 $0x100, v23;
	v13 =	vor.u32 $0x180, v27;
	v22 =	vor.u32 $0x180, v24;
	v21 =	vld.idx.msk [tilespmem:v29+s10+$0x0], $0xffff  }
0x61: {  	s19 =	simm.s32 $0xA0;
	s18 =	simm.s32 $0x4;
	v2 =	vor.u32 $0x180, v6;
	v6 =	vor.u32 $0x100, v11;
	v11 =	vor.u32 $0x180, v11;
	[tilespmem:v31+s14+$0x0] =	vst.idx.add.f32.msk $0xffff, v28  }
.LBB2_5:
0x62: {  	v23 =	vld [tilespmem:s19+$0x10];
	s18 =	sadd.s32 $0x4, s18  }
0x63: {  	v24 =	vld [tilespmem:s19+$0xFFFFFFF0];
	p0 =	slt.u32 s18, $0x13C  }
0x64: {  	v25 =	vld [tilespmem:s19+$0x0]  }
0x65: {  	[tilespmem:v22+s14+$0x0] =	vst.idx.add.f32.msk $0xffff, v21  }
0x66: {  	v21 =	vld [tilespmem:s19+$0xFFFFFFE0]  }
0x67: {  	v22 =	vshll.u32 v23, $0x2;
	[tilespmem:v18+s14+$0x0] =	vst.idx.add.f32.msk $0xffff, v20  }
0x68: {  	v20 =	vand.u32 $0x7F, v23;
	v18 =	vshll.u32 v24, $0x2;
	v22 =	vand.u32 $0x3FE00, v22;
	v19 =	vld.idx.msk [tilespmem:v19+s10+$0x0], $0xffff  }
0x69: {  	v18 =	vand.u32 $0x3FE00, v18;
	v26 =	vshll.u32 v25, $0x2;
	v20 =	vor.u32 v20, v22;
	v22 =	vld.idx.msk [tilespmem:v14+s10+$0x0], $0xffff  }
0x6a: {  	v14 =	vand.u32 $0x7F, v24;
	v27 =	vand.u32 $0x7F, v25;
	v26 =	vand.u32 $0x3FE00, v26;
	v28 =	vld.idx.msk [tilespmem:v15+s10+$0x0], $0xffff  }
0x6b: {  	v30 =	vor.u32 v14, v18;
	v15 =	vand.u32 $0x7F, v21;
	v29 =	vshll.u32 v21, $0x2;
	[tilespmem:v3+s14+$0x0] =	vst.idx.add.f32.msk $0xffff, v7;
	v3 =	vmovc v12  }
0x6c: {  	v7 =	vshrl.u32 v21, $0x10;
	v26 =	vor.u32 v27, v26;
	v12 =	vand.u32 $0x3FE00, v29;
	[tilespmem:v1+s14+$0x0] =	vst.idx.add.f32.msk $0xffff, v17;
	v1 =	vmovc v13  }
0x6d: {  	v14 =	vshrl.u32 v23, $0xE;
	v13 =	vshrl.u32 v23, $0x10;
	v12 =	vor.u32 v15, v12;
	[tilespmem:v2+s14+$0x0] =	vst.idx.add.f32.msk $0xffff, v16;
	v2 =	vmovc v11  }
0x6e: {  	v14 =	vand.u32 $0x3FE00, v14;
	v11 =	vshrl.u32 v21, $0xE;
	v13 =	vand.u32 $0x7F, v13;
	v15 =	vld.idx.msk [tilespmem:v20+s10+$0x0], $0xffff  }
0x6f: {  	v17 =	vshrl.u32 v24, $0xE;
	v16 =	vshrl.u32 v24, $0x10;
	v23 =	vor.u32 v13, v14;
	[tilespmem:v10+s14+$0x0] =	vst.idx.add.f32.msk $0xffff, v19  }
0x70: {  	v14 =	vshrl.u32 v25, $0xE;
	v10 =	vshrl.u32 v25, $0x10;
	v19 =	vor.u32 $0x80, v20;
	v13 =	vld.idx.msk [tilespmem:v30+s10+$0x0], $0xffff  }
0x71: {  	v7 =	vand.u32 $0x7F, v7;
	v11 =	vand.u32 $0x3FE00, v11;
	v16 =	vand.u32 $0x7F, v16;
	v21 =	vld.idx.msk [tilespmem:v26+s10+$0x0], $0xffff  }
0x72: {  	v17 =	vand.u32 $0x3FE00, v17;
	v14 =	vand.u32 $0x3FE00, v14;
	v10 =	vand.u32 $0x7F, v10;
	v24 =	vld.idx.msk [tilespmem:v12+s10+$0x0], $0xffff  }
0x73: {  	v11 =	vor.u32 v7, v11;
	v16 =	vor.u32 v16, v17;
	v17 =	vor.u32 v10, v14;
	v7 =	vld.idx.msk [tilespmem:v9+s10+$0x0], $0xffff  }
0x74: {  	v27 =	vor.u32 $0x80, v30;
	v29 =	vor.u32 $0x80, v26;
	v25 =	vor.u32 $0x80, v12;
	[tilespmem:v23+s14+$0x0] =	vst.idx.add.f32.msk $0xffff, v15  }
0x75: {  	v31 =	vor.u32 $0x80, v11;
	v32 =	vor.u32 $0x80, v16;
	v18 =	vor.u32 $0x80, v17;
	v33 =	vld.idx.msk [tilespmem:v19+s10+$0x0], $0xffff  }
0x76: {  	v34 =	vor.u32 $0x80, v23;
	v14 =	vor.u32 $0x100, v30;
	v19 =	vor.u32 $0x100, v12;
	[tilespmem:v8+s14+$0x0] =	vst.idx.add.f32.msk $0xffff, v22  }
0x77: {  	v10 =	vor.u32 $0x100, v11;
	v15 =	vor.u32 $0x100, v26;
	v22 =	vor.u32 $0x100, v20;
	[tilespmem:v6+s14+$0x0] =	vst.idx.add.f32.msk $0xffff, v28  }
0x78: {  	v9 =	vor.u32 $0x180, v12;
	v8 =	vor.u32 $0x100, v16;
	v6 =	vor.u32 $0x100, v17;
	[tilespmem:v11+s14+$0x0] =	vst.idx.add.f32.msk $0xffff, v24  }
0x79: {  	v26 =	vor.u32 $0x180, v26;
	v12 =	vor.u32 $0x180, v11;
	v24 =	vor.u32 $0x180, v30;
	[tilespmem:v16+s14+$0x0] =	vst.idx.add.f32.msk $0xffff, v13  }
0x7a: {  	v11 =	vor.u32 $0x180, v17;
	v13 =	vor.u32 $0x180, v16;
	[tilespmem:v17+s14+$0x0] =	vst.idx.add.f32.msk $0xffff, v21  }
0x7b: {  	[tilespmem:v34+s14+$0x0] =	vst.idx.add.f32.msk $0xffff, v33  }
0x7c: {  	v21 =	vld.idx.msk [tilespmem:v22+s10+$0x0], $0xffff  }
0x7d: {  	v22 =	vld.idx.msk [tilespmem:v25+s10+$0x0], $0xffff;
	v25 =	vor.u32 $0x100, v23  }
0x7e: {  	v28 =	vor.u32 $0x180, v20;
	v27 =	vld.idx.msk [tilespmem:v27+s10+$0x0], $0xffff  }
0x7f: {  	v20 =	vld.idx.msk [tilespmem:v29+s10+$0x0], $0xffff  }
0x80: {  	v17 =	vld.idx.msk [tilespmem:v5+s10+$0x0], $0xffff;
	v5 =	vmov v24  }
.Ltmp1:
0x81: {  	v16 =	vld.idx.msk [tilespmem:v4+s10+$0x0], $0xffff;
	v4 =	vmov v26;
	(pc) =	sbr.rel @p0 .LBB2_5-.Ltmp1, $4  }
0x82: {  	[tilespmem:v25+s14+$0x0] =	vst.idx.add.f32.msk $0xffff, v21  }
0x83: {  	v21 =	vld.idx.msk [tilespmem:v28+s10+$0x0], $0xffff  }
0x84: {  	[tilespmem:v31+s14+$0x0] =	vst.idx.add.f32.msk $0xffff, v22;
	v22 =	vor.u32 $0x180, v23  }
0x85: {  	s19 =	sadd.s32 $0x40, s19;
	[tilespmem:v32+s14+$0x0] =	vst.idx.add.f32.msk $0xffff, v27  }
0x86: {  	_ =	sdelay $0x3  }
0x87: {  	v19 =	vld.idx.msk [tilespmem:v19+s10+$0x0], $0xffff  }
0x88: {  	[tilespmem:v18+s14+$0x0] =	vst.idx.add.f32.msk $0xffff, v20  }
0x89: {  	v14 =	vld.idx.msk [tilespmem:v14+s10+$0x0], $0xffff  }
0x8a: {  	[tilespmem:v3+s14+$0x0] =	vst.idx.add.f32.msk $0xffff, v7  }
0x8b: {  	v15 =	vld.idx.msk [tilespmem:v15+s10+$0x0], $0xffff  }
0x8c: {  	[tilespmem:v1+s14+$0x0] =	vst.idx.add.f32.msk $0xffff, v17  }
0x8d: {  	[tilespmem:v10+s14+$0x0] =	vst.idx.add.f32.msk $0xffff, v19  }
0x8e: {  	[tilespmem:v8+s14+$0x0] =	vst.idx.add.f32.msk $0xffff, v14  }
0x8f: {  	v3 =	vld.idx.msk [tilespmem:v9+s10+$0x0], $0xffff  }
0x90: {  	[tilespmem:v6+s14+$0x0] =	vst.idx.add.f32.msk $0xffff, v15  }
0x91: {  	s18 =	sshll.u32 s17, $0x1;
	v5 =	vld.idx.msk [tilespmem:v5+s10+$0x0], $0xffff  }
0x92: {  	s18 =	smin.u32 s18, $0x3C;
	v4 =	vld.idx.msk [tilespmem:v4+s10+$0x0], $0xffff  }
0x93: {  	[tilespmem:v2+s14+$0x0] =	vst.idx.add.f32.msk $0xffff, v16;
	s18 =	smul.u32 $0x1400, s18  }
0x94: {  	[tilespmem:v22+s14+$0x0] =	vst.idx.add.f32.msk $0xffff, v21  }
0x95: {  	s18 =	sshrl.u32 s18, $0x3;
	[tilespmem:v12+s14+$0x0] =	vst.idx.add.f32.msk $0xffff, v3  }
0x96: {  	s18 =	sadd.s32 s2, s18;
	[tilespmem:v13+s14+$0x0] =	vst.idx.add.f32.msk $0xffff, v5  }
0x97: {  	s19 =	sadd.s32 $0x500, s18;
	[tilespmem:v11+s14+$0x0] =	vst.idx.add.f32.msk $0xffff, v4  }
0x98: {  	[tilespmem:s3], [sflag:$0x1] =	stream.linear.gather [hbm4b:s19+s3], $0x1400, $0x38;
	[tilespmem:$0x16800] =	vst v63  }
0x99: {  	_ =	swait.ge [sflag:s15], $0x1400  }
0x9a: {  	[sflag:s15] =	ssyncset.done $0x0  }
0x9b: {  	s30 =	simm.s32 $0x1420;
	[sflag:s15] =	ssyncadd.s32 $0xFFFFEC00  }
0x9c: {  	v2 =	vld [tilespmem:s30+$0x10];
	_ =	sdelay $0x1  }
0x9d: {  	v3 =	vld [tilespmem:s30+$0xFFFFFFF0];
	_ =	sdelay $0x1  }
0x9e: {  	v4 =	vld [tilespmem:s30+$0xFFFFFFE0]  }
0x9f: {  	v1 =	vshll.u32 v2, $0x2  }
0xa0: {  	v5 =	vand.u32 $0x7F, v2;
	v1 =	vand.u32 $0x3FE00, v1  }
0xa1: {  	v7 =	vshll.u32 v3, $0x2;
	v5 =	vor.u32 v5, v1  }
0xa2: {  	v6 =	vld [tilespmem:s30+$0x0];
	v1 =	vand.u32 $0x3FE00, v7;
	v7 =	vand.u32 $0x7F, v3  }
0xa3: {  	v8 =	vand.u32 $0x7F, v4;
	v9 =	vshll.u32 v4, $0x2;
	v1 =	vor.u32 v7, v1  }
0xa4: {  	v7 =	vand.u32 $0x3FE00, v9;
	v9 =	vshrl.u32 v2, $0x10;
	v2 =	vshrl.u32 v2, $0xE  }
0xa5: {  	v7 =	vor.u32 v8, v7;
	v8 =	vand.u32 $0x7F, v9;
	v2 =	vand.u32 $0x3FE00, v2  }
0xa6: {  	v2 =	vor.u32 v8, v2;
	v11 =	vld.idx.msk [tilespmem:v5+s10+$0x0], $0xffff  }
0xa7: {  	v12 =	vor.u32 $0x80, v5;
	v9 =	vshll.u32 v6, $0x2  }
0xa8: {  	s31 =	simm.s32 $0x1460;
	v10 =	vand.u32 $0x7F, v6;
	v8 =	vand.u32 $0x3FE00, v9;
	v9 =	vshrl.u32 v4, $0x10  }
0xa9: {  	v17 =	vld [tilespmem:s31+$0x0];
	v4 =	vshrl.u32 v4, $0xE;
	v8 =	vor.u32 v10, v8;
	v10 =	vshrl.u32 v3, $0x10  }
0xaa: {  	v3 =	vshrl.u32 v3, $0xE;
	v9 =	vand.u32 $0x7F, v9;
	v4 =	vand.u32 $0x3FE00, v4;
	v14 =	vld.idx.msk [tilespmem:v7+s10+$0x0], $0xffff  }
0xab: {  	v10 =	vand.u32 $0x7F, v10;
	v3 =	vand.u32 $0x3FE00, v3;
	v4 =	vor.u32 v9, v4;
	[tilespmem:v2+s14+$0x0] =	vst.idx.add.f32.msk $0xffff, v11  }
0xac: {  	v9 =	vor.u32 v10, v3;
	v11 =	vor.u32 $0x80, v2;
	v10 =	vld.idx.msk [tilespmem:v12+s10+$0x0], $0xffff  }
0xad: {  	v19 =	vld [tilespmem:s31+$0xFFFFFFE0];
	v3 =	vshrl.u32 v6, $0x10;
	v6 =	vshrl.u32 v6, $0xE;
	v12 =	vor.u32 $0x100, v5  }
0xae: {  	v13 =	vld.idx.msk [tilespmem:v1+s10+$0x0], $0xffff;
	v3 =	vand.u32 $0x7F, v3;
	v6 =	vand.u32 $0x3FE00, v6  }
0xaf: {  	v6 =	vor.u32 v3, v6;
	v3 =	vor.u32 $0x80, v7;
	v15 =	vld.idx.msk [tilespmem:v8+s10+$0x0], $0xffff  }
0xb0: {  	[tilespmem:v4+s14+$0x0] =	vst.idx.add.f32.msk $0xffff, v14  }
0xb1: {  	v14 =	vor.u32 $0x80, v1;
	[tilespmem:v11+s14+$0x0] =	vst.idx.add.f32.msk $0xffff, v10  }
0xb2: {  	v11 =	vor.u32 $0x100, v2;
	v10 =	vld.idx.msk [tilespmem:v12+s10+$0x0], $0xffff  }
0xb3: {  	[tilespmem:v9+s14+$0x0] =	vst.idx.add.f32.msk $0xffff, v13  }
0xb4: {  	v5 =	vor.u32 $0x180, v5;
	v3 =	vld.idx.msk [tilespmem:v3+s10+$0x0], $0xffff  }
0xb5: {  	[tilespmem:v6+s14+$0x0] =	vst.idx.add.f32.msk $0xffff, v15  }
0xb6: {  	v13 =	vor.u32 $0x80, v8;
	v12 =	vld.idx.msk [tilespmem:v14+s10+$0x0], $0xffff  }
0xb7: {  	v14 =	vor.u32 $0x80, v9;
	[tilespmem:v11+s14+$0x0] =	vst.idx.add.f32.msk $0xffff, v10  }
0xb8: {  	v10 =	vor.u32 $0x80, v4;
	v11 =	vld [tilespmem:s31+$0x10]  }
0xb9: {  	v2 =	vor.u32 $0x180, v2;
	v5 =	vld.idx.msk [tilespmem:v5+s10+$0x0], $0xffff  }
0xba: {  	v16 =	vor.u32 $0x100, v7;
	v15 =	vld [tilespmem:s31+$0xFFFFFFF0]  }
0xbb: {  	v13 =	vld.idx.msk [tilespmem:v13+s10+$0x0], $0xffff  }
0xbc: {  	v18 =	vor.u32 $0x80, v6;
	[tilespmem:v14+s14+$0x0] =	vst.idx.add.f32.msk $0xffff, v12  }
0xbd: {  	v20 =	vor.u32 $0x100, v1;
	[tilespmem:v10+s14+$0x0] =	vst.idx.add.f32.msk $0xffff, v3  }
0xbe: {  	v21 =	vor.u32 $0x100, v8;
	v3 =	vshll.u32 v11, $0x2;
	[tilespmem:v2+s14+$0x0] =	vst.idx.add.f32.msk $0xffff, v5  }
0xbf: {  	v14 =	vor.u32 $0x100, v4;
	v12 =	vand.u32 $0x7F, v11;
	v3 =	vand.u32 $0x3FE00, v3;
	v5 =	vld.idx.msk [tilespmem:v16+s10+$0x0], $0xffff  }
0xc0: {  	v7 =	vor.u32 $0x180, v7;
	v10 =	vshll.u32 v15, $0x2;
	v3 =	vor.u32 v12, v3  }
0xc1: {  	[tilespmem:v18+s14+$0x0] =	vst.idx.add.f32.msk $0xffff, v13;
	v2 =	vand.u32 $0x3FE00, v10;
	v10 =	vshll.u32 v17, $0x2;
	v12 =	vand.u32 $0x7F, v15  }
0xc2: {  	v16 =	vand.u32 $0x7F, v17;
	v10 =	vand.u32 $0x3FE00, v10;
	v22 =	vor.u32 v12, v2;
	v2 =	vld.idx.msk [tilespmem:v20+s10+$0x0], $0xffff  }
0xc3: {  	v13 =	vshll.u32 v19, $0x2;
	v18 =	vor.u32 $0x100, v9;
	v23 =	vor.u32 v16, v10;
	v10 =	vld.idx.msk [tilespmem:v21+s10+$0x0], $0xffff  }
0xc4: {  	v13 =	vand.u32 $0x3FE00, v13;
	v12 =	vand.u32 $0x7F, v19;
	v20 =	vor.u32 $0x100, v6;
	[tilespmem:v14+s14+$0x0] =	vst.idx.add.f32.msk $0xffff, v5  }
0xc5: {  	v13 =	vor.u32 v12, v13;
	v12 =	vshrl.u32 v11, $0x10;
	v11 =	vshrl.u32 v11, $0xE;
	v16 =	vld.idx.msk [tilespmem:v3+s10+$0x0], $0xffff  }
0xc6: {  	v12 =	vand.u32 $0x7F, v12;
	v11 =	vand.u32 $0x3FE00, v11;
	v7 =	vld.idx.msk [tilespmem:v7+s10+$0x0], $0xffff  }
0xc7: {  	v8 =	vor.u32 $0x180, v8;
	v24 =	vor.u32 v12, v11;
	v5 =	vshrl.u32 v19, $0x10;
	v12 =	vld.idx.msk [tilespmem:v22+s10+$0x0], $0xffff  }
0xc8: {  	v11 =	vshrl.u32 v19, $0xE;
	v19 =	vshrl.u32 v15, $0x10;
	v15 =	vshrl.u32 v15, $0xE;
	v25 =	vld.idx.msk [tilespmem:v23+s10+$0x0], $0xffff  }
0xc9: {  	v14 =	vor.u32 $0x80, v3;
	v19 =	vand.u32 $0x7F, v19;
	v15 =	vand.u32 $0x3FE00, v15;
	[tilespmem:v18+s14+$0x0] =	vst.idx.add.f32.msk $0xffff, v2  }
0xca: {  	v21 =	vshrl.u32 v17, $0x10;
	v17 =	vshrl.u32 v17, $0xE;
	v15 =	vor.u32 v19, v15;
	[tilespmem:v20+s14+$0x0] =	vst.idx.add.f32.msk $0xffff, v10  }
0xcb: {  	v5 =	vand.u32 $0x7F, v5;
	v11 =	vand.u32 $0x3FE00, v11;
	v18 =	vor.u32 $0x180, v1;
	v26 =	vld.idx.msk [tilespmem:v13+s10+$0x0], $0xffff  }
0xcc: {  	v17 =	vand.u32 $0x3FE00, v17;
	v5 =	vor.u32 v5, v11;
	v11 =	vand.u32 $0x7F, v21;
	v19 =	vld.idx.msk [tilespmem:v8+s10+$0x0], $0xffff  }
0xcd: {  	v11 =	vor.u32 v11, v17;
	v17 =	vor.u32 $0x80, v22;
	[tilespmem:v24+s14+$0x0] =	vst.idx.add.f32.msk $0xffff, v16  }
0xce: {  	v16 =	vor.u32 $0x80, v24;
	v14 =	vld.idx.msk [tilespmem:v14+s10+$0x0], $0xffff  }
0xcf: {  	v2 =	vor.u32 $0x100, v3;
	[tilespmem:v15+s14+$0x0] =	vst.idx.add.f32.msk $0xffff, v12  }
0xd0: {  	v18 =	vld.idx.msk [tilespmem:v18+s10+$0x0], $0xffff  }
0xd1: {  	v10 =	vor.u32 $0x80, v13;
	[tilespmem:v5+s14+$0x0] =	vst.idx.add.f32.msk $0xffff, v26  }
0xd2: {  	v12 =	vor.u32 $0x80, v23;
	v27 =	vld.idx.msk [tilespmem:v17+s10+$0x0], $0xffff  }
0xd3: {  	v30 =	vor.u32 $0x80, v15;
	[tilespmem:v16+s14+$0x0] =	vst.idx.add.f32.msk $0xffff, v14  }
0xd4: {  	v63 =	vor.u32 $0x100, v24;
	v21 =	vld.idx.msk [tilespmem:v2+s10+$0x0], $0xffff  }
0xd5: {  	v28 =	vor.u32 $0x180, v3;
	[tilespmem:v11+s14+$0x0] =	vst.idx.add.f32.msk $0xffff, v25  }
0xd6: {  	v3 =	vor.u32 $0x180, v4;
	v1 =	vor.u32 $0x180, v9;
	v29 =	vor.u32 $0x80, v5;
	v62 =	vld.idx.msk [tilespmem:v10+s10+$0x0], $0xffff  }
0xd7: {  	v9 =	vor.u32 $0x180, v13;
	v4 =	vor.u32 $0x180, v22;
	v8 =	vor.u32 $0x100, v15;
	v20 =	vld.idx.msk [tilespmem:v12+s10+$0x0], $0xffff  }
0xd8: {  	v15 =	vor.u32 $0x180, v15;
	v17 =	vor.u32 $0x100, v13;
	v13 =	vor.u32 $0x180, v5;
	[tilespmem:v30+s14+$0x0] =	vst.idx.add.f32.msk $0xffff, v27  }
0xd9: {  	v10 =	vor.u32 $0x100, v5;
	v5 =	vor.u32 $0x180, v23;
	v16 =	vor.u32 $0x80, v11;
	[tilespmem:v63+s14+$0x0] =	vst.idx.add.f32.msk $0xffff, v21  }
0xda: {  	v12 =	vor.u32 $0x100, v22;
	v14 =	vor.u32 $0x100, v23;
	v22 =	vor.u32 $0x180, v24;
	v21 =	vld.idx.msk [tilespmem:v28+s10+$0x0], $0xffff  }
0xdb: {  	s20 =	simm.s32 $0x14A0;
	s19 =	simm.s32 $0x4;
	v2 =	vor.u32 $0x180, v6;
	v6 =	vor.u32 $0x100, v11;
	v11 =	vor.u32 $0x180, v11;
	[tilespmem:v29+s14+$0x0] =	vst.idx.add.f32.msk $0xffff, v62  }
.LBB2_7:
0xdc: {  	v23 =	vld [tilespmem:s20+$0x10];
	s19 =	sadd.s32 $0x4, s19  }
0xdd: {  	v24 =	vld [tilespmem:s20+$0xFFFFFFF0];
	p0 =	slt.u32 s19, $0x13C  }
0xde: {  	v25 =	vld [tilespmem:s20+$0x0]  }
0xdf: {  	[tilespmem:v22+s14+$0x0] =	vst.idx.add.f32.msk $0xffff, v21  }
0xe0: {  	v21 =	vld [tilespmem:s20+$0xFFFFFFE0]  }
0xe1: {  	v22 =	vshll.u32 v23, $0x2;
	[tilespmem:v16+s14+$0x0] =	vst.idx.add.f32.msk $0xffff, v20  }
0xe2: {  	v20 =	vand.u32 $0x7F, v23;
	v16 =	vshll.u32 v24, $0x2;
	v22 =	vand.u32 $0x3FE00, v22;
	v17 =	vld.idx.msk [tilespmem:v17+s10+$0x0], $0xffff  }
0xe3: {  	v16 =	vand.u32 $0x3FE00, v16;
	v26 =	vshll.u32 v25, $0x2;
	v20 =	vor.u32 v20, v22;
	v22 =	vld.idx.msk [tilespmem:v12+s10+$0x0], $0xffff  }
0xe4: {  	v12 =	vand.u32 $0x7F, v24;
	v27 =	vand.u32 $0x7F, v25;
	v26 =	vand.u32 $0x3FE00, v26;
	v28 =	vld.idx.msk [tilespmem:v14+s10+$0x0], $0xffff  }
0xe5: {  	v30 =	vor.u32 v12, v16;
	v14 =	vand.u32 $0x7F, v21;
	v29 =	vshll.u32 v21, $0x2;
	[tilespmem:v3+s14+$0x0] =	vst.idx.add.f32.msk $0xffff, v7;
	v3 =	vmovc v13  }
0xe6: {  	v7 =	vshrl.u32 v21, $0x10;
	v26 =	vor.u32 v27, v26;
	v12 =	vand.u32 $0x3FE00, v29;
	[tilespmem:v1+s14+$0x0] =	vst.idx.add.f32.msk $0xffff, v18;
	v1 =	vmovc v15  }
0xe7: {  	v13 =	vor.u32 v14, v12;
	v12 =	vshrl.u32 v23, $0x10;
	v14 =	vshrl.u32 v23, $0xE;
	[tilespmem:v2+s14+$0x0] =	vst.idx.add.f32.msk $0xffff, v19;
	v2 =	vmovc v11  }
0xe8: {  	v11 =	vshrl.u32 v21, $0xE;
	v15 =	vld.idx.msk [tilespmem:v20+s10+$0x0], $0xffff;
	v12 =	vand.u32 $0x7F, v12;
	v14 =	vand.u32 $0x3FE00, v14  }
0xe9: {  	v16 =	vshrl.u32 v24, $0x10;
	v18 =	vshrl.u32 v24, $0xE;
	v23 =	vor.u32 v12, v14;
	[tilespmem:v10+s14+$0x0] =	vst.idx.add.f32.msk $0xffff, v17  }
0xea: {  	v10 =	vshrl.u32 v25, $0x10;
	v12 =	vshrl.u32 v25, $0xE;
	v14 =	vor.u32 $0x80, v20;
	v19 =	vld.idx.msk [tilespmem:v30+s10+$0x0], $0xffff  }
0xeb: {  	v16 =	vand.u32 $0x7F, v16;
	v7 =	vand.u32 $0x7F, v7;
	v11 =	vand.u32 $0x3FE00, v11;
	v21 =	vld.idx.msk [tilespmem:v26+s10+$0x0], $0xffff  }
0xec: {  	v17 =	vand.u32 $0x3FE00, v18;
	v10 =	vand.u32 $0x7F, v10;
	v12 =	vand.u32 $0x3FE00, v12;
	v24 =	vld.idx.msk [tilespmem:v13+s10+$0x0], $0xffff  }
0xed: {  	v11 =	vor.u32 v7, v11;
	v18 =	vor.u32 v16, v17;
	v25 =	vor.u32 v10, v12;
	v7 =	vld.idx.msk [tilespmem:v9+s10+$0x0], $0xffff  }
0xee: {  	v29 =	vor.u32 $0x80, v30;
	v31 =	vor.u32 $0x80, v26;
	v27 =	vor.u32 $0x80, v13;
	[tilespmem:v23+s14+$0x0] =	vst.idx.add.f32.msk $0xffff, v15  }
0xef: {  	v32 =	vor.u32 $0x80, v11;
	v33 =	vor.u32 $0x80, v18;
	v16 =	vor.u32 $0x80, v25;
	v34 =	vld.idx.msk [tilespmem:v14+s10+$0x0], $0xffff  }
0xf0: {  	v17 =	vor.u32 $0x100, v13;
	v35 =	vor.u32 $0x80, v23;
	v12 =	vor.u32 $0x100, v30;
	[tilespmem:v8+s14+$0x0] =	vst.idx.add.f32.msk $0xffff, v22  }
0xf1: {  	v10 =	vor.u32 $0x100, v11;
	v14 =	vor.u32 $0x100, v26;
	v22 =	vor.u32 $0x100, v20;
	[tilespmem:v6+s14+$0x0] =	vst.idx.add.f32.msk $0xffff, v28  }
0xf2: {  	v9 =	vor.u32 $0x180, v13;
	v8 =	vor.u32 $0x100, v18;
	v6 =	vor.u32 $0x100, v25;
	[tilespmem:v11+s14+$0x0] =	vst.idx.add.f32.msk $0xffff, v24  }
0xf3: {  	v13 =	vor.u32 $0x180, v11;
	v24 =	vor.u32 $0x180, v26;
	[tilespmem:v18+s14+$0x0] =	vst.idx.add.f32.msk $0xffff, v19;
	v19 =	vor.u32 $0x180, v30  }
0xf4: {  	v15 =	vor.u32 $0x180, v18;
	v11 =	vor.u32 $0x180, v25;
	[tilespmem:v25+s14+$0x0] =	vst.idx.add.f32.msk $0xffff, v21  }
0xf5: {  	[tilespmem:v35+s14+$0x0] =	vst.idx.add.f32.msk $0xffff, v34  }
0xf6: {  	v21 =	vld.idx.msk [tilespmem:v22+s10+$0x0], $0xffff  }
0xf7: {  	v25 =	vor.u32 $0x100, v23;
	v22 =	vld.idx.msk [tilespmem:v27+s10+$0x0], $0xffff  }
0xf8: {  	v27 =	vor.u32 $0x180, v20;
	v26 =	vld.idx.msk [tilespmem:v29+s10+$0x0], $0xffff  }
0xf9: {  	v20 =	vld.idx.msk [tilespmem:v31+s10+$0x0], $0xffff  }
0xfa: {  	v18 =	vld.idx.msk [tilespmem:v4+s10+$0x0], $0xffff;
	v4 =	vmov v19  }
.Ltmp2:
0xfb: {  	v19 =	vld.idx.msk [tilespmem:v5+s10+$0x0], $0xffff;
	v5 =	vmov v24;
	(pc) =	sbr.rel @p0 .LBB2_7-.Ltmp2, $4  }
0xfc: {  	[tilespmem:v25+s14+$0x0] =	vst.idx.add.f32.msk $0xffff, v21  }
0xfd: {  	v21 =	vld.idx.msk [tilespmem:v27+s10+$0x0], $0xffff  }
0xfe: {  	[tilespmem:v32+s14+$0x0] =	vst.idx.add.f32.msk $0xffff, v22;
	v22 =	vor.u32 $0x180, v23  }
0xff: {  	s20 =	sadd.s32 $0x40, s20;
	[tilespmem:v33+s14+$0x0] =	vst.idx.add.f32.msk $0xffff, v26  }
0x100: {  	_ =	sdelay $0x3  }
0x101: {  	v17 =	vld.idx.msk [tilespmem:v17+s10+$0x0], $0xffff  }
0x102: {  	[tilespmem:v16+s14+$0x0] =	vst.idx.add.f32.msk $0xffff, v20  }
0x103: {  	v12 =	vld.idx.msk [tilespmem:v12+s10+$0x0], $0xffff  }
0x104: {  	[tilespmem:v3+s14+$0x0] =	vst.idx.add.f32.msk $0xffff, v7  }
0x105: {  	v14 =	vld.idx.msk [tilespmem:v14+s10+$0x0], $0xffff  }
0x106: {  	[tilespmem:v1+s14+$0x0] =	vst.idx.add.f32.msk $0xffff, v18  }
0x107: {  	[tilespmem:v10+s14+$0x0] =	vst.idx.add.f32.msk $0xffff, v17  }
0x108: {  	[tilespmem:v8+s14+$0x0] =	vst.idx.add.f32.msk $0xffff, v12  }
0x109: {  	v3 =	vld.idx.msk [tilespmem:v9+s10+$0x0], $0xffff  }
0x10a: {  	[tilespmem:v6+s14+$0x0] =	vst.idx.add.f32.msk $0xffff, v14  }
0x10b: {  	v4 =	vld.idx.msk [tilespmem:v4+s10+$0x0], $0xffff  }
0x10c: {  	s17 =	sadd.s32 $0x1, s17;
	v5 =	vld.idx.msk [tilespmem:v5+s10+$0x0], $0xffff  }
0x10d: {  	[tilespmem:v2+s14+$0x0] =	vst.idx.add.f32.msk $0xffff, v19;
	p0 =	sne.s32 s17, $0x20  }
.Ltmp3:
0x10e: {  	[tilespmem:v22+s14+$0x0] =	vst.idx.add.f32.msk $0xffff, v21;
	(pc) =	sbr.rel @p0 .LBB2_4-.Ltmp3, $4  }
0x10f: {  	[tilespmem:v13+s14+$0x0] =	vst.idx.add.f32.msk $0xffff, v3  }
0x110: {  	[tilespmem:v15+s14+$0x0] =	vst.idx.add.f32.msk $0xffff, v4  }
0x111: {  	s18 =	sadd.s32 $0x780, s18;
	[tilespmem:v11+s14+$0x0] =	vst.idx.add.f32.msk $0xffff, v5  }
0x112: {  	[tilespmem:s12], [sflag:$0x2] =	stream.linear.gather [hbm4b:s18+s3], $0x1400, $0x38;
	[tilespmem:$0x16800] =	vst v63  }
0x113: {  	_ =	swait.ge [sflag:s13], $0x1400  }
0x114: {  	[sflag:s13] =	ssyncset.done $0x0  }
0x115: {  	[sflag:s13] =	ssyncadd.s32 $0xFFFFEC00  }
0x116: {  	s16 =	sadd.s32 $0x1, s16;
	_ =	swait.ge [sflag:s15], $0x1400  }
0x117: {  	p0 =	sne.s32 s16, s7;
	[sflag:s15] =	ssyncset.done $0x0  }
.Ltmp4:
0x118: {  	[sflag:s15] =	ssyncadd.s32 $0xFFFFEC00;
	(pc) =	sbr.rel @p0 .LBB2_1-.Ltmp4, $4  }
0x119: {  	[hbm4b:s6+s8] =	stream.strided.scatter [tilespmem:s14], [sflag:$0x3], $0xA000, s9, s8, $0x38;
	[tilespmem:$0x16800] =	vst v63  }
0x11a: {  	_ =	swait.ge [sflag:s11], $0xA000  }
0x11b: {  	[sflag:s11] =	ssyncset.done $0x0  }
0x11c: {  	[sflag:s11] =	ssyncadd.s32 $0xFFFF6000  }
0x11d: {  	_ =	sfence.sel $0x180000  }
0x11e: {  	[bflag:$0x0] =	sbarrier.arrive $0xFFFF  }
0x11f: {  	p0 =	sne.s32 s0, $0x0;
	_ =	strace $0x9000004A  }
0x120: {  	s0 =	sadd.s32 @!p0 $0x100000, s1;
	[bflag:$0x2] =	sbarrier.arrive $0xFFFF  }
0x121: {  	[sflag:s0] =	ssyncadd.tile.s32 @!p0 $0x1;
	_ =	shalt  }
.Lfunc_end2:
_tile_overlayer_lowered:
.L_overlay_start_2:
0x122: {  	(tag) =	ssettag $0x2  }
0x123: {  	s0 =	rddreg [dreg:$0x0];
	s2 =	stileid.u32  }
0x124: {  	s1 =	rddreg [dreg:$0x1];
	p0 =	sne.s32 s2, $0x0  }
0x125: {  	s3 =	rddreg [dreg:$0x2];
	[bflag:$0x3] =	sbarrier.arrive $0xFFFF;
	s2 =	simm.s32 @!p0 $0x1C03  }
0x126: {  	[timem:s3], [sflag:s2] =	dma.local @!p0 [hbm:s0], s1  }
0x127: {  	s0 =	simm.s32 @!p0 $0x3  }
0x128: {  	_ =	swait.ge @!p0 [sflag:s0], s1  }
0x129: {  	s1 =	ssub.s32 @!p0 $0x0, s1;
	[sflag:s0] =	ssyncset.done @!p0 $0x0  }
0x12a: {  	[sflag:s0] =	ssyncadd.s32 @!p0 s1  }
0x12b: {  	[bflag:$0x3] =	sbarrier.arrive $0xFFFF  }
0x12c: {  	_ =	shalt  }

// kernel: kernel.16.cloned.1.call-start
scs
__scs_entry_jumppad:
0x0: {  	(pc) =	sbr.rel $0x88, $3  }
0x1: {  	(tag) =	ssettag $0x0;
	lr =	simm.s32 $0x1  }
0x2: {  	[smem:$0x3F9B] =	sst lr;
	_ =	strace $0xD0000000  }
0x3: {  	_ = 	snop  }
0x4: {  	_ = 	snop  }
0x5: {  	_ = 	snop  }
0x6: {  	_ = 	snop  }
0x7: {  	_ = 	snop  }
__scs_overlays_trampoline_lowered:
0x8: {  	[smem:$0x3FAA] =	sst s0  }
0x9: {  	[smem:$0x3FAB] =	sst s1  }
0xa: {  	[smem:$0x3FAC] =	sst s2  }
0xb: {  	[smem:$0x3FAD] =	sst s3  }
0xc: {  	[smem:$0x3FAE] =	sst s4  }
0xd: {  	[smem:$0x3FAF] =	sst s5  }
0xe: {  	[smem:$0x3FB0] =	sst s6  }
0xf: {  	[smem:$0x3FB1] =	sst s7  }
0x10: {  	[smem:$0x3FB2] =	sst s8  }
0x11: {  	[smem:$0x3FB3] =	sst s9;
	s0 =	simm.s32 @!p0 $0x0  }
0x12: {  	s1 =	sld [smem:$0x3F99];
	s0 =	simm.s32 @p0 $0x1  }
0x13: {  	[smem:$0x3FB4] =	sst s0;
	s0 =	simm.s32 @!p1 $0x0  }
0x14: {  	s2 =	sld [smem:$0x3F98];
	s0 =	simm.s32 @p1 $0x1  }
0x15: {  	[smem:$0x3FB5] =	sst s0;
	s0 =	simm.s32 @!p2 $0x0  }
0x16: {  	s3 =	sld [smem:$0x3FDB];
	s0 =	simm.s32 @p2 $0x1  }
0x17: {  	s4 =	simm.s32 $0x1BF5;
	[smem:$0x3FB7] =	sst s0  }
0x18: {  	s0 =	sld [smem:$0x3F9A];
	_ =	swait.ge [sflag:s4], $0x0  }
0x19: {  	s7 =	sld [smem:$0x3F9B]  }
0x1a: {  	s8 =	sadd.s32 $0xFFFFE003, lr  }
0x1b: {  	s9 =	sadd.s32 $0xFFFFFEF7, lr;
	s5 =	simm.s32 $0xFFFFFFFF;
	p2 =	slt.u32 s8, $0xFFFFF086  }
0x1c: {  	p1 =	slt.u32 s9, $0xF7A;
	s5 =	simm.s32 @!p2 $0x0  }
0x1d: {  	s5 =	simm.s32 @p1 $0x1;
	p0 =	seq.s32 s7, s2  }
0x1e: {  	s7 =	smul.u32 @!p0 $0xF7A, s2;
	p2 =	seq.s32 @!p0 s5, $0x0  }
0x1f: {  	s9 =	smul.u32 $0xF7A, s1;
	s8 =	simm.s32 @!p0 $0x1BF5;
	p2 =	por !p2, p0  }
0x20: {  	[sflag:s8] =	ssyncset.s32 @!p0 $0xFFFFF086;
	s6 =	sadd.s32 @!p0 s3, s7;
	s7 =	simm.s32 @!p0 $0x108  }
0x21: {  	s3 =	sadd.s32 s3, s9;
	s6 =	sadd.s32 @!p0 $0x88, s6;
	s7 =	simm.s32 @p2 $0x1082  }
0x22: {  	[simem:s7], [sflag:s8] =	dma.local @!p0 [hbm:s6], $0xF7A  }
0x23: {  	s9 =	sor.u32 $0xD0000000, s2;
	s6 =	simm.s32 $0x108;
	_ =	swait.ge @!p0 [sflag:s8], $0x0  }
0x24: {  	s3 =	sadd.s32 $0x88, s3;
	s6 =	simm.s32 @!p1 $0x1082;
	[sflag:s4] =	ssyncset.s32 $0xFFFFF086  }
0x25: {  	[simem:s6], [sflag:s4] =	dma.local [hbm:s3], $0xF7A  }
0x26: {  	[smem:$0x3F9B] =	sst s1;
	(tag) =	ssettag s2;
	_ =	strace s9  }
0x27: {  	s1 =	sld [smem:$0x3FAB]  }
0x28: {  	s2 =	sld [smem:$0x3FAC]  }
0x29: {  	s4 =	sld [smem:$0x3FAE]  }
0x2a: {  	p0 =	seq.s32 s5, $0x0;
	s5 =	sld [smem:$0x3FAF]  }
0x2b: {  	s6 =	sld [smem:$0x3FB0]  }
0x2c: {  	s7 =	sld [smem:$0x3FB1]  }
0x2d: {  	s3 =	simm.s32 $0x108;
	s8 =	sld [smem:$0x3FB2]  }
0x2e: {  	s3 =	simm.s32 @!p0 $0x1082;
	s9 =	sld [smem:$0x3FB3]  }
0x2f: {  	lr =	sadd.s32 s0, s3;
	s0 =	sld [smem:$0x3FAA]  }
0x30: {  	s3 =	sld [smem:$0x3FAD]  }
0x31: {  	[smem:$0x3FB6] =	sst s10  }
0x32: {  	s10 =	sld [smem:$0x3FB4];
	_ =	sdelay $0x3  }
0x33: {  	p0 =	seq.s32 s10, $0x1;
	s10 =	sld [smem:$0x3FB6];
	_ =	sdelay $0x3  }
0x34: {  	[smem:$0x3FB6] =	sst s10  }
0x35: {  	s10 =	sld [smem:$0x3FB5];
	_ =	sdelay $0x3  }
0x36: {  	p1 =	seq.s32 s10, $0x1;
	s10 =	sld [smem:$0x3FB6];
	_ =	sdelay $0x3  }
0x37: {  	[smem:$0x3FB6] =	sst s10  }
0x38: {  	s10 =	sld [smem:$0x3FB7]  }
0x39: {  	_ = 	snop;
	(pc) =	sbr.ind lr, $3  }
0x3a: {  	_ = 	snop  }
0x3b: {  	_ = 	snop  }
0x3c: {  	p2 =	seq.s32 s10, $0x1;
	s10 =	sld [smem:$0x3FB6]  }
0x3d: {  	_ =	shalt  }
0x3e: {  	_ =	shalt  }
0x3f: {  	_ =	shalt  }
0x40: {  	_ =	shalt  }
0x41: {  	_ =	shalt  }
0x42: {  	_ =	shalt  }
0x43: {  	_ =	shalt  }
0x44: {  	_ =	shalt  }
0x45: {  	_ =	shalt  }
0x46: {  	_ =	shalt  }
0x47: {  	_ =	shalt  }
0x48: {  	_ =	shalt  }
0x49: {  	_ =	shalt  }
0x4a: {  	_ =	shalt  }
0x4b: {  	_ =	shalt  }
0x4c: {  	_ =	shalt  }
0x4d: {  	_ =	shalt  }
0x4e: {  	_ =	shalt  }
0x4f: {  	_ =	shalt  }
0x50: {  	_ =	shalt  }
0x51: {  	_ =	shalt  }
0x52: {  	_ =	shalt  }
0x53: {  	_ =	shalt  }
0x54: {  	_ =	shalt  }
0x55: {  	_ =	shalt  }
0x56: {  	_ =	shalt  }
0x57: {  	_ =	shalt  }
0x58: {  	_ =	shalt  }
0x59: {  	_ =	shalt  }
0x5a: {  	_ =	shalt  }
0x5b: {  	_ =	shalt  }
0x5c: {  	_ =	shalt  }
0x5d: {  	_ =	shalt  }
0x5e: {  	_ =	shalt  }
0x5f: {  	_ =	shalt  }
0x60: {  	_ =	shalt  }
0x61: {  	_ =	shalt  }
0x62: {  	_ =	shalt  }
0x63: {  	_ =	shalt  }
0x64: {  	_ =	shalt  }
0x65: {  	_ =	shalt  }
0x66: {  	_ =	shalt  }
0x67: {  	_ =	shalt  }
0x68: {  	_ =	shalt  }
0x69: {  	_ =	shalt  }
0x6a: {  	_ =	shalt  }
0x6b: {  	_ =	shalt  }
0x6c: {  	_ =	shalt  }
0x6d: {  	_ =	shalt  }
0x6e: {  	_ =	shalt  }
0x6f: {  	_ =	shalt  }
0x70: {  	_ =	shalt  }
0x71: {  	_ =	shalt  }
0x72: {  	_ =	shalt  }
0x73: {  	_ =	shalt  }
0x74: {  	_ =	shalt  }
0x75: {  	_ =	shalt  }
0x76: {  	_ =	shalt  }
0x77: {  	_ =	shalt  }
0x78: {  	_ =	shalt  }
0x79: {  	_ =	shalt  }
0x7a: {  	_ =	shalt  }
0x7b: {  	_ =	shalt  }
0x7c: {  	_ =	shalt  }
0x7d: {  	_ =	shalt  }
0x7e: {  	_ =	shalt  }
0x7f: {  	_ =	shalt  }
0x80: {  	_ =	shalt  }
0x81: {  	_ =	shalt  }
0x82: {  	_ =	shalt  }
0x83: {  	_ =	shalt  }
0x84: {  	_ =	shalt  }
0x85: {  	_ =	shalt  }
0x86: {  	_ =	shalt  }
0x87: {  	_ =	shalt  }
.Lfunc_end0:
.L_simem_size_0:
called_computation.2_lowered:
.L_overlay_start_0:
0x88: {  	s2 =	sld [smem:$0x3FD9]  }
0x89: {  	s3 =	sld [smem:$0x3FFE];
	_ =	sdelay $0x1  }
0x8a: {  	s1 =	srdreg.scid  }
0x8b: {  	s0 =	sand.u32 $0x1, s1  }
0x8c: {  	s17 =	sshll.u32 s0, $0xA;
	s2 =	sadd.s32 s3, s2  }
0x8d: {  	s2 =	sadd.s32 s2, s17  }
0x8e: {  	[smem:$0x3FC2] =	sst s2  }
0x8f: {  	_ = 	snop  }
0x90: {  	s2 =	sld [smem:$0x3FD0];
	(tm) =	ssettm $0x1  }
0x91: {  	s18 =	sld [smem:$0x3FFB];
	_ =	sdelay $0x3  }
0x92: {  	_ =	strace s18  }
0x93: {  	s3 =	sld [smem:$0x3FFC];
	_ =	sdelay $0x3  }
0x94: {  	_ =	strace s3  }
0x95: {  	s3 =	sld [smem:$0x3FFD];
	_ =	sdelay $0x3  }
0x96: {  	_ =	strace s3  }
0x97: {  	_ =	strace $0x8FFFFFFF  }
0x98: {  	s19 =	sld [smem:$0x3FDB];
	_ =	sdelay $0x1  }
0x99: {  	s4 =	simm.s32 $_scs_section_size  }
0x9a: {  	s5 =	simm.s32 $_size__tile_overlayer_lowered;
	s6 =	simm.s32 $_tile_overlayer_lowered  }
0x9b: {  	s22 =	simm.s32 $0x1BFF;
	s21 =	sshll.u32 s6, $0x1;
	s3 =	sadd.s32 s4, s19  }
0x9c: {  	s7 =	simm.s32 $0x0;
	s20 =	sshll.u32 s5, $0x1;
	s5 =	sadd.s32 s21, s3  }
0x9d: {  	[timem:s7], [sflag:s22] =	dma.local [hbm:s5], s20  }
0x9e: {  	_ =	swait.ge [sflag:s22], s20  }
0x9f: {  	s4 =	ssub.s32 $0x0, s20;
	[sflag:s22] =	ssyncset.done $0x0  }
0xa0: {  	[sflag:s22] =	ssyncadd.s32 s4;
	_ =	sdelay $0x1  }
0xa1: {  	s23 =	simm.s32 $0x1B8B  }
0xa2: {  	_ =	swait.ge [sflag:s23], $0x1  }
0xa3: {  	[sflag:s23] =	ssyncset.done $0x0  }
0xa4: {  	s25 =	simm.s32 $0x1B8E;
	s24 =	sld [smem:$0x3FFE];
	[sflag:s23] =	ssyncadd.s32 $0xFFFFFFFF  }
0xa5: {  	s26 =	simm.s32 $execute0_lowered;
	[smem:$0x3FD2] =	sst s25  }
0xa6: {  	s5 =	sshll.u32 s26, $0x1;
	_ =	strace $0x8000004C;
	[dreg:$0x1] =	wrdreg $0xFFFFFFFF  }
0xa7: {  	s28 =	simm.s32 $_size_execute0_lowered;
	s3 =	sadd.s32 s3, s5;
	[dreg:$0x0] =	wrdreg $0x0  }
0xa8: {  	s5 =	sshll.u32 s28, $0x1;
	[dreg:$0x2] =	wrdreg s3  }
0xa9: {  	[dreg:$0x3] =	wrdreg s5  }
0xaa: {  	[dreg:$0x4] =	wrdreg $0xC0  }
0xab: {  	_ =	task [dreg:s7], $0x5FFFF  }
0xac: {  	[dreg:$0x1] =	wrdreg $0xFFFFFFFF  }
0xad: {  	[dreg:$0x0] =	wrdreg $0x60  }
0xae: {  	[dreg:$0x2] =	wrdreg s24  }
0xaf: {  	[dreg:$0x3] =	wrdreg s2  }
0xb0: {  	[dreg:$0x4] =	wrdreg $0x9  }
0xb1: {  	_ =	task.clear_ibuf [dreg:s7], $0x5FFFF;
	_ =	strace $0x9000004C  }
0xb2: {  	s29 =	simm.s32 $0x9;
	_ =	strace $0x8000004E  }
0xb3: {  	_ =	swait.ge [sflag:s29], $0x1  }
0xb4: {  	[sflag:s29] =	ssyncadd.s32 $0xFFFFFFFF  }
0xb5: {  	_ =	strace $0x9000004E  }
0xb6: {  	_ =	sfence  }
0xb7: {  	s30 =	sld [smem:$0x0];
	_ =	sdelay $0x2  }
0xb8: {  	s31 =	sshll.u32 s1, $0xD;
	s1 =	sshrl.u32 s1, $0x2  }
0xb9: {  	s3 =	sand.u32 $0x4000, s31;
	s1 =	sadd.s32 s1, s30  }
0xba: {  	s0 =	sor.u32 s3, s0;
	s1 =	sshll.u32 s1, $0x11  }
0xbb: {  	s0 =	sor.u32 s1, s0  }
0xbc: {  	s0 =	sadd.s32 $0x8F2B, s0  }
0xbd: {  	[sflag:s0] =	ssyncadd.remote.s32 $0x1  }
0xbe: {  	_ =	sfence.sel $0xFFFF  }
0xbf: {  	[dreg:$0x0] =	wrdreg $0xFFFFFFFF;
	(pc) =	sbr.abs _section_cstart, $3  }
0xc0: {  	[dreg:$0x1] =	wrdreg $0xFFFFFFFF  }
0xc1: {  	_ =	task.clear_ibuf [dreg:s7], $0x2FFFF;
	_ =	strace $0x9FFFFFFF  }
0xc2: {  	(tm) =	ssettm $0x7FFFFFFF  }
0xc3: {  	_ =	shalt  }
tec
execute0_lowered:
.L_overlay_start_1:
0x0: {  	(tag) =	ssettag $0x1  }
0x1: {  	s1 =	srdreg.scid;
	s0 =	stileid.u32  }
0x2: {  	s5 =	rddreg [dreg:$0x0];
	s8 =	simm.s32 $0x100;
	s9 =	simm.s32 $0x400  }
0x3: {  	s10 =	simm.s32 $0x2800;
	s11 =	simm.s32 $0x3;
	s4 =	sand.u32 $0x1, s1  }
0x4: {  	s12 =	simm.s32 $0x1400;
	s2 =	sshll.u32 s0, $0x1;
	s1 =	sshll.u32 s4, $0x5  }
0x5: {  	s13 =	simm.s32 $0x1;
	s14 =	simm.s32 $0x7800;
	s1 =	sor.u32 s2, s1  }
0x6: {  	s15 =	simm.s32 $0x2;
	s16 =	simm.s32 $0x0;
	s1 =	sshrl.u32 s1, $0x3  }
0x7: {  	s30 =	sshll.u32 s0, $0x8;
	s4 =	ssub.s32 $0x2, s4;
	s3 =	smul.u32 $0x14000, s1  }
0x8: {  	s6 =	sand.u32 $0x300, s30;
	s2 =	rddreg [dreg:$0x1];
	s31 =	sshrl.u32 s4, $0x1  }
0x9: {  	s1 =	rddreg [dreg:$0x2];
	s6 =	sor.u32 s6, s3;
	s3 =	simm.s32 $0x0  }
0xa: {  	s7 =	ssub.s32 s4, s31;
	s6 =	sshrl.u32 s6, $0x3;
	[smem:$0x7FF] =	sst s3  }
0xb: {  	s7 =	smax.u32 s7, $0x1;
	s6 =	sadd.s32 s6, s5;
	_ =	strace $0x8000004D  }
0xc: {  	v0 =	vimm.f32 $0.0e+00;
	s5 =	sadd.s32 $0x280, s2;
	s4 =	sadd.s32 $0x2E00, s6;
	s6 =	sadd.s32 $0x16E00, s6  }
.LBB2_1:
0xd: {  	[tilespmem:s10], [sflag:$0x3] =	stream.strided.gather [hbm4b:s4+s8], $0x5000, s9, s8, $0x38;
	[tilespmem:$0xC800] =	vst v63  }
0xe: {  	_ =	swait.ge [sflag:s11], $0x5000  }
0xf: {  	s17 =	sand.u32 $0x70, s3;
	s18 =	sand.u32 $0x7F00, s3;
	[sflag:s11] =	ssyncset.done $0x0  }
0x10: {  	s18 =	sor.u32 s17, s18;
	[sflag:s11] =	ssyncadd.s32 $0xFFFFB000  }
0x11: {  	[tilespmem:s18+$0x7880] =	vst v0  }
0x12: {  	s17 =	simm.s32 $0x10;
	[tilespmem:s18+$0x7800] =	vst v0;
	s18 =	simm.s32 $0x0  }
.LBB2_2:
0x13: {  	p0 =	sne.s32 s17, $0x27F0  }
.Ltmp0:
0x14: {  	s19 =	sand.u32 $0x70, s17;
	s18 =	sadd.s32 $0x20, s18;
	(pc) =	sbr.rel @p0 .LBB2_2-.Ltmp0, $4  }
0x15: {  	s17 =	sadd.s32 $0x10, s17;
	s20 =	sand.u32 $0x7F00, s18  }
0x16: {  	s19 =	sor.u32 s19, s20  }
0x17: {  	[tilespmem:s19+$0x7880] =	vst v0  }
0x18: {  	[tilespmem:s19+$0x7800] =	vst v0  }
0x19: {  	s17 =	simm.s32 $0x0  }
0x1a: {  	[tilespmem:s17], [sflag:$0x1] =	stream.linear.gather [hbm4b:s2+s17], $0x1400, $0x38;
	[tilespmem:$0xC800] =	vst v63  }
0x1b: {  	_ = 	snop  }
0x1c: {  	[tilespmem:s12], [sflag:$0x2] =	stream.linear.gather [hbm4b:s5+s17], $0x1400, $0x38;
	[tilespmem:$0xC800] =	vst v63  }
.LBB2_4:
0x1d: {  	_ =	swait.ge [sflag:s13], $0x1400  }
0x1e: {  	[sflag:s13] =	ssyncset.done $0x0  }
0x1f: {  	s18 =	simm.s32 $0x20;
	[sflag:s13] =	ssyncadd.s32 $0xFFFFEC00  }
0x20: {  	v1 =	vld [tilespmem:s18+$0x10];
	_ =	sdelay $0x1  }
0x21: {  	v2 =	vld [tilespmem:s18+$0xFFFFFFF0]  }
0x22: {  	v4 =	vld [tilespmem:s18+$0xFFFFFFE0];
	_ =	sdelay $0x1  }
0x23: {  	v5 =	vshll.u32 v1, $0x1  }
0x24: {  	v7 =	vand.u32 $0x7F, v1;
	v5 =	vand.u32 $0x1FF00, v5  }
0x25: {  	v6 =	vshll.u32 v2, $0x1;
	v5 =	vor.u32 v7, v5  }
0x26: {  	v3 =	vld [tilespmem:s18+$0x0];
	v10 =	vand.u32 $0x7F, v2;
	v6 =	vand.u32 $0x1FF00, v6;
	v7 =	vshll.u32 v4, $0x1  }
0x27: {  	v9 =	vand.u32 $0x7F, v4;
	v6 =	vor.u32 v10, v6;
	v7 =	vand.u32 $0x1FF00, v7  }
0x28: {  	v7 =	vor.u32 v9, v7;
	v9 =	vshrl.u32 v1, $0x10;
	v1 =	vshrl.u32 v1, $0xF  }
0x29: {  	v9 =	vand.u32 $0x7F, v9;
	v1 =	vand.u32 $0x1FF00, v1  }
0x2a: {  	v1 =	vor.u32 v9, v1;
	v10 =	vld.idx.msk [tilespmem:v5+s10+$0x0], $0xffff  }
0x2b: {  	s31 =	simm.s32 $0x60;
	v8 =	vshll.u32 v3, $0x1;
	v5 =	vor.u32 $0x80, v5  }
0x2c: {  	v16 =	vld [tilespmem:s31+$0xFFFFFFF0];
	v11 =	vand.u32 $0x7F, v3;
	v8 =	vand.u32 $0x1FF00, v8  }
0x2d: {  	v8 =	vor.u32 v11, v8;
	v11 =	vld.idx.msk [tilespmem:v6+s10+$0x0], $0xffff  }
0x2e: {  	v13 =	vshrl.u32 v4, $0x10;
	v4 =	vshrl.u32 v4, $0xF;
	v9 =	vld.idx.msk [tilespmem:v7+s10+$0x0], $0xffff  }
0x2f: {  	v14 =	vshrl.u32 v2, $0x10;
	v4 =	vand.u32 $0x1FF00, v4;
	[tilespmem:v1+s14+$0x0] =	vst.idx.add.f32.msk $0xffff, v10;
	v10 =	vand.u32 $0x7F, v13  }
0x30: {  	v2 =	vshrl.u32 v2, $0xF;
	v14 =	vand.u32 $0x7F, v14;
	v5 =	vld.idx.msk [tilespmem:v5+s10+$0x0], $0xffff;
	v4 =	vor.u32 v10, v4  }
0x31: {  	v2 =	vand.u32 $0x1FF00, v2;
	v15 =	vor.u32 $0x80, v1;
	v13 =	vshrl.u32 v3, $0x10;
	v10 =	vld [tilespmem:s31+$0x10]  }
0x32: {  	v3 =	vshrl.u32 v3, $0xF;
	v1 =	vand.u32 $0x7F, v13;
	v13 =	vor.u32 v14, v2;
	v14 =	vld [tilespmem:s31+$0x0]  }
0x33: {  	v17 =	vld [tilespmem:s31+$0xFFFFFFE0];
	v3 =	vand.u32 $0x1FF00, v3  }
0x34: {  	v12 =	vld.idx.msk [tilespmem:v8+s10+$0x0], $0xffff;
	v6 =	vor.u32 $0x80, v6;
	v3 =	vor.u32 v1, v3  }
0x35: {  	v8 =	vor.u32 $0x80, v8;
	v7 =	vor.u32 $0x80, v7;
	v18 =	vor.u32 $0x80, v4;
	[tilespmem:v4+s14+$0x0] =	vst.idx.add.f32.msk $0xffff, v9  }
0x36: {  	v2 =	vor.u32 $0x80, v13;
	v1 =	vor.u32 $0x80, v3;
	v4 =	vshll.u32 v10, $0x1;
	[tilespmem:v15+s14+$0x0] =	vst.idx.add.f32.msk $0xffff, v5  }
0x37: {  	v5 =	vshll.u32 v16, $0x1;
	v9 =	vand.u32 $0x7F, v10;
	[tilespmem:v13+s14+$0x0] =	vst.idx.add.f32.msk $0xffff, v11;
	v11 =	vshll.u32 v14, $0x1  }
0x38: {  	v13 =	vand.u32 $0x7F, v14;
	v15 =	vshrl.u32 v14, $0x10;
	v4 =	vand.u32 $0x1FF00, v4  }
0x39: {  	v5 =	vand.u32 $0x1FF00, v5;
	[tilespmem:v3+s14+$0x0] =	vst.idx.add.f32.msk $0xffff, v12;
	v3 =	vand.u32 $0x7F, v17;
	v9 =	vor.u32 v9, v4  }
0x3a: {  	v11 =	vand.u32 $0x1FF00, v11;
	v7 =	vld.idx.msk [tilespmem:v7+s10+$0x0], $0xffff;
	v12 =	vand.u32 $0x7F, v16;
	v4 =	vshll.u32 v17, $0x1  }
0x3b: {  	v5 =	vor.u32 v12, v5;
	v20 =	vor.u32 v13, v11;
	v4 =	vand.u32 $0x1FF00, v4  }
0x3c: {  	v11 =	vshrl.u32 v10, $0x10;
	v10 =	vshrl.u32 v10, $0xF;
	v19 =	vor.u32 v3, v4;
	v4 =	vld.idx.msk [tilespmem:v6+s10+$0x0], $0xffff  }
0x3d: {  	v14 =	vshrl.u32 v14, $0xF;
	v10 =	vand.u32 $0x1FF00, v10;
	v3 =	vld.idx.msk [tilespmem:v8+s10+$0x0], $0xffff;
	v8 =	vand.u32 $0x7F, v11  }
0x3e: {  	v12 =	vshrl.u32 v17, $0xF;
	v13 =	vshrl.u32 v16, $0xF;
	v8 =	vor.u32 v8, v10;
	v21 =	vld.idx.msk [tilespmem:v9+s10+$0x0], $0xffff  }
0x3f: {  	v22 =	vor.u32 $0x80, v9;
	v6 =	vshrl.u32 v17, $0x10;
	v11 =	vshrl.u32 v16, $0x10;
	[tilespmem:v18+s14+$0x0] =	vst.idx.add.f32.msk $0xffff, v7  }
0x40: {  	v6 =	vand.u32 $0x7F, v6;
	v7 =	vand.u32 $0x1FF00, v12;
	v9 =	vand.u32 $0x7F, v11;
	v11 =	vld.idx.msk [tilespmem:v5+s10+$0x0], $0xffff  }
0x41: {  	v12 =	vand.u32 $0x1FF00, v13;
	v13 =	vand.u32 $0x7F, v15;
	v15 =	vand.u32 $0x1FF00, v14;
	v14 =	vld.idx.msk [tilespmem:v20+s10+$0x0], $0xffff  }
0x42: {  	v17 =	vor.u32 v6, v7;
	v15 =	vor.u32 v13, v15;
	v13 =	vor.u32 $0x80, v19;
	v10 =	vld.idx.msk [tilespmem:v19+s10+$0x0], $0xffff  }
0x43: {  	v16 =	vor.u32 v9, v12;
	v12 =	vor.u32 $0x80, v5;
	v9 =	vor.u32 $0x80, v20;
	[tilespmem:v8+s14+$0x0] =	vst.idx.add.f32.msk $0xffff, v21  }
0x44: {  	s19 =	simm.s32 $0xA0;
	s18 =	simm.s32 $0x4;
	v5 =	vor.u32 $0x80, v17;
	v6 =	vor.u32 $0x80, v15;
	v7 =	vor.u32 $0x80, v16;
	v18 =	vld.idx.msk [tilespmem:v22+s10+$0x0], $0xffff  }
.LBB2_5:
0x45: {  	v19 =	vld [tilespmem:s19+$0x10];
	s18 =	sadd.s32 $0x4, s18;
	v8 =	vor.u32 $0x80, v8  }
0x46: {  	v20 =	vld [tilespmem:s19+$0xFFFFFFF0];
	p0 =	slt.u32 s18, $0x13C  }
0x47: {  	v21 =	vld [tilespmem:s19+$0x0]  }
0x48: {  	v22 =	vld [tilespmem:s19+$0xFFFFFFE0]  }
0x49: {  	[tilespmem:v17+s14+$0x0] =	vst.idx.add.f32.msk $0xffff, v10  }
0x4a: {  	v10 =	vshll.u32 v19, $0x1;
	[tilespmem:v8+s14+$0x0] =	vst.idx.add.f32.msk $0xffff, v18  }
0x4b: {  	v17 =	vand.u32 $0x7F, v19;
	v8 =	vshll.u32 v20, $0x1;
	v10 =	vand.u32 $0x1FF00, v10;
	[tilespmem:v16+s14+$0x0] =	vst.idx.add.f32.msk $0xffff, v11  }
0x4c: {  	v8 =	vand.u32 $0x1FF00, v8;
	v11 =	vshll.u32 v21, $0x1;
	v10 =	vor.u32 v17, v10;
	[tilespmem:v15+s14+$0x0] =	vst.idx.add.f32.msk $0xffff, v14  }
0x4d: {  	v14 =	vand.u32 $0x7F, v22;
	v15 =	vshll.u32 v22, $0x1;
	v11 =	vand.u32 $0x1FF00, v11;
	v13 =	vld.idx.msk [tilespmem:v13+s10+$0x0], $0xffff  }
0x4e: {  	v16 =	vand.u32 $0x7F, v20;
	v17 =	vand.u32 $0x7F, v21;
	v15 =	vand.u32 $0x1FF00, v15;
	v12 =	vld.idx.msk [tilespmem:v12+s10+$0x0], $0xffff  }
0x4f: {  	v23 =	vor.u32 v16, v8;
	v24 =	vor.u32 v17, v11;
	v18 =	vor.u32 v14, v15;
	v9 =	vld.idx.msk [tilespmem:v9+s10+$0x0], $0xffff  }
0x50: {  	v8 =	vshrl.u32 v19, $0x10;
	v11 =	vshrl.u32 v22, $0x10;
	v14 =	vshrl.u32 v19, $0xF;
	[tilespmem:v2+s14+$0x0] =	vst.idx.add.f32.msk $0xffff, v4;
	v2 =	vmovc v7  }
0x51: {  	v8 =	vand.u32 $0x7F, v8;
	v4 =	vshrl.u32 v22, $0xF;
	v14 =	vand.u32 $0x1FF00, v14;
	v7 =	vld.idx.msk [tilespmem:v10+s10+$0x0], $0xffff  }
0x52: {  	v16 =	vshrl.u32 v20, $0xF;
	v15 =	vshrl.u32 v20, $0x10;
	v8 =	vor.u32 v8, v14;
	[tilespmem:v1+s14+$0x0] =	vst.idx.add.f32.msk $0xffff, v3;
	v1 =	vmovc v6  }
0x53: {  	v17 =	vshrl.u32 v21, $0x10;
	v19 =	vor.u32 $0x80, v10;
	v6 =	vshrl.u32 v21, $0xF;
	[tilespmem:v5+s14+$0x0] =	vst.idx.add.f32.msk $0xffff, v13  }
.Ltmp1:
0x54: {  	v14 =	vand.u32 $0x7F, v15;
	v5 =	vand.u32 $0x7F, v11;
	v13 =	vand.u32 $0x1FF00, v4;
	v4 =	vmovc v12;
	v10 =	vld.idx.msk [tilespmem:v18+s10+$0x0], $0xffff;
	(pc) =	sbr.rel @p0 .LBB2_5-.Ltmp1, $4  }
0x55: {  	v15 =	vand.u32 $0x7F, v17;
	v12 =	vand.u32 $0x1FF00, v16;
	v6 =	vand.u32 $0x1FF00, v6;
	v3 =	vmovc v9;
	v11 =	vld.idx.msk [tilespmem:v23+s10+$0x0], $0xffff  }
0x56: {  	v17 =	vor.u32 v5, v13;
	v16 =	vor.u32 v14, v12;
	v15 =	vor.u32 v15, v6;
	v14 =	vld.idx.msk [tilespmem:v24+s10+$0x0], $0xffff  }
0x57: {  	v13 =	vor.u32 $0x80, v18;
	v12 =	vor.u32 $0x80, v23;
	v9 =	vor.u32 $0x80, v24;
	[tilespmem:v8+s14+$0x0] =	vst.idx.add.f32.msk $0xffff, v7  }
0x58: {  	s19 =	sadd.s32 $0x40, s19;
	v5 =	vor.u32 $0x80, v17;
	v6 =	vor.u32 $0x80, v15;
	v7 =	vor.u32 $0x80, v16;
	v18 =	vld.idx.msk [tilespmem:v19+s10+$0x0], $0xffff  }
0x59: {  	_ =	sdelay $0x3  }
0x5a: {  	v8 =	vor.u32 $0x80, v8;
	[tilespmem:v17+s14+$0x0] =	vst.idx.add.f32.msk $0xffff, v10  }
0x5b: {  	[tilespmem:v16+s14+$0x0] =	vst.idx.add.f32.msk $0xffff, v11  }
0x5c: {  	[tilespmem:v15+s14+$0x0] =	vst.idx.add.f32.msk $0xffff, v14  }
0x5d: {  	v10 =	vld.idx.msk [tilespmem:v12+s10+$0x0], $0xffff  }
0x5e: {  	v9 =	vld.idx.msk [tilespmem:v9+s10+$0x0], $0xffff  }
0x5f: {  	s18 =	sshll.u32 s17, $0x1;
	[tilespmem:v8+s14+$0x0] =	vst.idx.add.f32.msk $0xffff, v18  }
0x60: {  	s18 =	smin.u32 s18, $0x3C;
	v8 =	vld.idx.msk [tilespmem:v13+s10+$0x0], $0xffff  }
0x61: {  	[tilespmem:v2+s14+$0x0] =	vst.idx.add.f32.msk $0xffff, v4;
	s18 =	smul.u32 $0x1400, s18  }
0x62: {  	[tilespmem:v1+s14+$0x0] =	vst.idx.add.f32.msk $0xffff, v3  }
0x63: {  	s18 =	sshrl.u32 s18, $0x3;
	[tilespmem:v7+s14+$0x0] =	vst.idx.add.f32.msk $0xffff, v10  }
0x64: {  	s18 =	sadd.s32 s2, s18;
	[tilespmem:v6+s14+$0x0] =	vst.idx.add.f32.msk $0xffff, v9  }
0x65: {  	s19 =	sadd.s32 $0x500, s18;
	[tilespmem:v5+s14+$0x0] =	vst.idx.add.f32.msk $0xffff, v8  }
0x66: {  	[tilespmem:s3], [sflag:$0x1] =	stream.linear.gather [hbm4b:s19+s3], $0x1400, $0x38;
	[tilespmem:$0xC800] =	vst v63  }
0x67: {  	_ =	swait.ge [sflag:s15], $0x1400  }
0x68: {  	[sflag:s15] =	ssyncset.done $0x0  }
0x69: {  	s30 =	simm.s32 $0x1420;
	[sflag:s15] =	ssyncadd.s32 $0xFFFFEC00  }
0x6a: {  	v1 =	vld [tilespmem:s30+$0x10];
	_ =	sdelay $0x1  }
0x6b: {  	v2 =	vld [tilespmem:s30+$0xFFFFFFF0]  }
0x6c: {  	v4 =	vld [tilespmem:s30+$0xFFFFFFE0];
	_ =	sdelay $0x1  }
0x6d: {  	v5 =	vshll.u32 v1, $0x1  }
0x6e: {  	v7 =	vand.u32 $0x7F, v1;
	v5 =	vand.u32 $0x1FF00, v5  }
0x6f: {  	v6 =	vshll.u32 v2, $0x1;
	v5 =	vor.u32 v7, v5  }
0x70: {  	v3 =	vld [tilespmem:s30+$0x0];
	v10 =	vand.u32 $0x7F, v2;
	v6 =	vand.u32 $0x1FF00, v6;
	v7 =	vshll.u32 v4, $0x1  }
0x71: {  	v9 =	vand.u32 $0x7F, v4;
	v6 =	vor.u32 v10, v6;
	v7 =	vand.u32 $0x1FF00, v7  }
0x72: {  	v7 =	vor.u32 v9, v7;
	v9 =	vshrl.u32 v1, $0x10;
	v1 =	vshrl.u32 v1, $0xF  }
0x73: {  	v9 =	vand.u32 $0x7F, v9;
	v1 =	vand.u32 $0x1FF00, v1  }
0x74: {  	v1 =	vor.u32 v9, v1;
	v10 =	vld.idx.msk [tilespmem:v5+s10+$0x0], $0xffff  }
0x75: {  	s31 =	simm.s32 $0x1460;
	v8 =	vshll.u32 v3, $0x1;
	v5 =	vor.u32 $0x80, v5  }
0x76: {  	v16 =	vld [tilespmem:s31+$0xFFFFFFF0];
	v11 =	vand.u32 $0x7F, v3;
	v8 =	vand.u32 $0x1FF00, v8  }
0x77: {  	v8 =	vor.u32 v11, v8;
	v11 =	vld.idx.msk [tilespmem:v6+s10+$0x0], $0xffff  }
0x78: {  	v13 =	vshrl.u32 v4, $0x10;
	v4 =	vshrl.u32 v4, $0xF;
	v9 =	vld.idx.msk [tilespmem:v7+s10+$0x0], $0xffff  }
0x79: {  	v14 =	vshrl.u32 v2, $0x10;
	v4 =	vand.u32 $0x1FF00, v4;
	[tilespmem:v1+s14+$0x0] =	vst.idx.add.f32.msk $0xffff, v10;
	v10 =	vand.u32 $0x7F, v13  }
0x7a: {  	v2 =	vshrl.u32 v2, $0xF;
	v14 =	vand.u32 $0x7F, v14;
	v5 =	vld.idx.msk [tilespmem:v5+s10+$0x0], $0xffff;
	v4 =	vor.u32 v10, v4  }
0x7b: {  	v2 =	vand.u32 $0x1FF00, v2;
	v15 =	vor.u32 $0x80, v1;
	v13 =	vshrl.u32 v3, $0x10;
	v10 =	vld [tilespmem:s31+$0x10]  }
0x7c: {  	v3 =	vshrl.u32 v3, $0xF;
	v1 =	vand.u32 $0x7F, v13;
	v13 =	vor.u32 v14, v2;
	v14 =	vld [tilespmem:s31+$0x0]  }
0x7d: {  	v17 =	vld [tilespmem:s31+$0xFFFFFFE0];
	v3 =	vand.u32 $0x1FF00, v3  }
0x7e: {  	v12 =	vld.idx.msk [tilespmem:v8+s10+$0x0], $0xffff;
	v6 =	vor.u32 $0x80, v6;
	v3 =	vor.u32 v1, v3  }
0x7f: {  	v8 =	vor.u32 $0x80, v8;
	v7 =	vor.u32 $0x80, v7;
	v18 =	vor.u32 $0x80, v4;
	[tilespmem:v4+s14+$0x0] =	vst.idx.add.f32.msk $0xffff, v9  }
0x80: {  	v1 =	vor.u32 $0x80, v13;
	v2 =	vor.u32 $0x80, v3;
	v4 =	vshll.u32 v10, $0x1;
	[tilespmem:v15+s14+$0x0] =	vst.idx.add.f32.msk $0xffff, v5  }
0x81: {  	v5 =	vshll.u32 v16, $0x1;
	v9 =	vand.u32 $0x7F, v10;
	[tilespmem:v13+s14+$0x0] =	vst.idx.add.f32.msk $0xffff, v11;
	v11 =	vshll.u32 v14, $0x1  }
0x82: {  	v13 =	vand.u32 $0x7F, v14;
	v15 =	vshrl.u32 v14, $0x10;
	v4 =	vand.u32 $0x1FF00, v4  }
0x83: {  	v5 =	vand.u32 $0x1FF00, v5;
	[tilespmem:v3+s14+$0x0] =	vst.idx.add.f32.msk $0xffff, v12;
	v3 =	vand.u32 $0x7F, v17;
	v9 =	vor.u32 v9, v4  }
0x84: {  	v11 =	vand.u32 $0x1FF00, v11;
	v12 =	vld.idx.msk [tilespmem:v7+s10+$0x0], $0xffff;
	v7 =	vand.u32 $0x7F, v16;
	v4 =	vshll.u32 v17, $0x1  }
0x85: {  	v5 =	vor.u32 v7, v5;
	v20 =	vor.u32 v13, v11;
	v4 =	vand.u32 $0x1FF00, v4  }
0x86: {  	v7 =	vshrl.u32 v10, $0x10;
	v10 =	vshrl.u32 v10, $0xF;
	v19 =	vor.u32 v3, v4;
	v4 =	vld.idx.msk [tilespmem:v6+s10+$0x0], $0xffff  }
0x87: {  	v14 =	vshrl.u32 v14, $0xF;
	v7 =	vand.u32 $0x7F, v7;
	v10 =	vand.u32 $0x1FF00, v10;
	v3 =	vld.idx.msk [tilespmem:v8+s10+$0x0], $0xffff  }
0x88: {  	v11 =	vshrl.u32 v16, $0x10;
	v13 =	vshrl.u32 v16, $0xF;
	v7 =	vor.u32 v7, v10;
	v21 =	vld.idx.msk [tilespmem:v9+s10+$0x0], $0xffff  }
0x89: {  	v22 =	vor.u32 $0x80, v9;
	v6 =	vshrl.u32 v17, $0x10;
	v8 =	vshrl.u32 v17, $0xF;
	[tilespmem:v18+s14+$0x0] =	vst.idx.add.f32.msk $0xffff, v12  }
0x8a: {  	v6 =	vand.u32 $0x7F, v6;
	v8 =	vand.u32 $0x1FF00, v8;
	v9 =	vand.u32 $0x7F, v11;
	v11 =	vld.idx.msk [tilespmem:v5+s10+$0x0], $0xffff  }
0x8b: {  	v12 =	vand.u32 $0x1FF00, v13;
	v13 =	vand.u32 $0x7F, v15;
	v15 =	vand.u32 $0x1FF00, v14;
	v14 =	vld.idx.msk [tilespmem:v20+s10+$0x0], $0xffff  }
0x8c: {  	v17 =	vor.u32 v6, v8;
	v15 =	vor.u32 v13, v15;
	v13 =	vor.u32 $0x80, v19;
	v10 =	vld.idx.msk [tilespmem:v19+s10+$0x0], $0xffff  }
0x8d: {  	v16 =	vor.u32 v9, v12;
	v12 =	vor.u32 $0x80, v5;
	v9 =	vor.u32 $0x80, v20;
	[tilespmem:v7+s14+$0x0] =	vst.idx.add.f32.msk $0xffff, v21  }
0x8e: {  	s20 =	simm.s32 $0x14A0;
	s19 =	simm.s32 $0x4;
	v5 =	vor.u32 $0x80, v17;
	v6 =	vor.u32 $0x80, v15;
	v8 =	vor.u32 $0x80, v16;
	v18 =	vld.idx.msk [tilespmem:v22+s10+$0x0], $0xffff  }
.LBB2_7:
0x8f: {  	v19 =	vld [tilespmem:s20+$0x10];
	s19 =	sadd.s32 $0x4, s19;
	v7 =	vor.u32 $0x80, v7  }
0x90: {  	v20 =	vld [tilespmem:s20+$0xFFFFFFF0];
	p0 =	slt.u32 s19, $0x13C  }
0x91: {  	v21 =	vld [tilespmem:s20+$0x0]  }
0x92: {  	v22 =	vld [tilespmem:s20+$0xFFFFFFE0]  }
0x93: {  	[tilespmem:v17+s14+$0x0] =	vst.idx.add.f32.msk $0xffff, v10  }
0x94: {  	v10 =	vshll.u32 v19, $0x1;
	[tilespmem:v7+s14+$0x0] =	vst.idx.add.f32.msk $0xffff, v18  }
0x95: {  	v17 =	vand.u32 $0x7F, v19;
	v7 =	vshll.u32 v20, $0x1;
	v10 =	vand.u32 $0x1FF00, v10;
	[tilespmem:v16+s14+$0x0] =	vst.idx.add.f32.msk $0xffff, v11  }
0x96: {  	v7 =	vand.u32 $0x1FF00, v7;
	v11 =	vshll.u32 v21, $0x1;
	v10 =	vor.u32 v17, v10;
	[tilespmem:v15+s14+$0x0] =	vst.idx.add.f32.msk $0xffff, v14  }
0x97: {  	v14 =	vand.u32 $0x7F, v22;
	v15 =	vshll.u32 v22, $0x1;
	v11 =	vand.u32 $0x1FF00, v11;
	v13 =	vld.idx.msk [tilespmem:v13+s10+$0x0], $0xffff  }
0x98: {  	v16 =	vand.u32 $0x7F, v20;
	v17 =	vand.u32 $0x7F, v21;
	v15 =	vand.u32 $0x1FF00, v15;
	v12 =	vld.idx.msk [tilespmem:v12+s10+$0x0], $0xffff  }
0x99: {  	v23 =	vor.u32 v16, v7;
	v24 =	vor.u32 v17, v11;
	v18 =	vor.u32 v14, v15;
	v9 =	vld.idx.msk [tilespmem:v9+s10+$0x0], $0xffff  }
0x9a: {  	v7 =	vshrl.u32 v19, $0x10;
	v11 =	vshrl.u32 v22, $0x10;
	v14 =	vshrl.u32 v19, $0xF;
	[tilespmem:v1+s14+$0x0] =	vst.idx.add.f32.msk $0xffff, v4;
	v1 =	vmovc v8  }
0x9b: {  	v7 =	vand.u32 $0x7F, v7;
	v4 =	vshrl.u32 v22, $0xF;
	v14 =	vand.u32 $0x1FF00, v14;
	v8 =	vld.idx.msk [tilespmem:v10+s10+$0x0], $0xffff  }
0x9c: {  	v16 =	vshrl.u32 v20, $0xF;
	v15 =	vshrl.u32 v20, $0x10;
	v7 =	vor.u32 v7, v14;
	[tilespmem:v2+s14+$0x0] =	vst.idx.add.f32.msk $0xffff, v3;
	v2 =	vmovc v6  }
0x9d: {  	v17 =	vshrl.u32 v21, $0x10;
	v19 =	vor.u32 $0x80, v10;
	v6 =	vshrl.u32 v21, $0xF;
	[tilespmem:v5+s14+$0x0] =	vst.idx.add.f32.msk $0xffff, v13  }
.Ltmp2:
0x9e: {  	v14 =	vand.u32 $0x7F, v15;
	v5 =	vand.u32 $0x7F, v11;
	v13 =	vand.u32 $0x1FF00, v4;
	v4 =	vmovc v12;
	v10 =	vld.idx.msk [tilespmem:v18+s10+$0x0], $0xffff;
	(pc) =	sbr.rel @p0 .LBB2_7-.Ltmp2, $4  }
0x9f: {  	v15 =	vand.u32 $0x7F, v17;
	v12 =	vand.u32 $0x1FF00, v16;
	v6 =	vand.u32 $0x1FF00, v6;
	v3 =	vmovc v9;
	v11 =	vld.idx.msk [tilespmem:v23+s10+$0x0], $0xffff  }
0xa0: {  	v17 =	vor.u32 v5, v13;
	v16 =	vor.u32 v14, v12;
	v15 =	vor.u32 v15, v6;
	v14 =	vld.idx.msk [tilespmem:v24+s10+$0x0], $0xffff  }
0xa1: {  	v13 =	vor.u32 $0x80, v18;
	v12 =	vor.u32 $0x80, v23;
	v9 =	vor.u32 $0x80, v24;
	[tilespmem:v7+s14+$0x0] =	vst.idx.add.f32.msk $0xffff, v8  }
0xa2: {  	s20 =	sadd.s32 $0x40, s20;
	v5 =	vor.u32 $0x80, v17;
	v6 =	vor.u32 $0x80, v15;
	v8 =	vor.u32 $0x80, v16;
	v18 =	vld.idx.msk [tilespmem:v19+s10+$0x0], $0xffff  }
0xa3: {  	_ =	sdelay $0x3  }
0xa4: {  	[tilespmem:v17+s14+$0x0] =	vst.idx.add.f32.msk $0xffff, v10  }
0xa5: {  	[tilespmem:v1+s14+$0x0] =	vst.idx.add.f32.msk $0xffff, v4  }
0xa6: {  	[tilespmem:v16+s14+$0x0] =	vst.idx.add.f32.msk $0xffff, v11  }
0xa7: {  	v7 =	vor.u32 $0x80, v7;
	v62 =	vld.idx.msk [tilespmem:v13+s10+$0x0], $0xffff  }
0xa8: {  	[tilespmem:v15+s14+$0x0] =	vst.idx.add.f32.msk $0xffff, v14  }
0xa9: {  	v63 =	vld.idx.msk [tilespmem:v12+s10+$0x0], $0xffff  }
0xaa: {  	s17 =	sadd.s32 $0x1, s17;
	v9 =	vld.idx.msk [tilespmem:v9+s10+$0x0], $0xffff  }
0xab: {  	[tilespmem:v2+s14+$0x0] =	vst.idx.add.f32.msk $0xffff, v3;
	p0 =	sne.s32 s17, $0x20  }
.Ltmp3:
0xac: {  	[tilespmem:v7+s14+$0x0] =	vst.idx.add.f32.msk $0xffff, v18;
	(pc) =	sbr.rel @p0 .LBB2_4-.Ltmp3, $4  }
0xad: {  	[tilespmem:v5+s14+$0x0] =	vst.idx.add.f32.msk $0xffff, v62  }
0xae: {  	[tilespmem:v8+s14+$0x0] =	vst.idx.add.f32.msk $0xffff, v63  }
0xaf: {  	s18 =	sadd.s32 $0x780, s18;
	[tilespmem:v6+s14+$0x0] =	vst.idx.add.f32.msk $0xffff, v9  }
0xb0: {  	[tilespmem:s12], [sflag:$0x2] =	stream.linear.gather [hbm4b:s18+s3], $0x1400, $0x38;
	[tilespmem:$0xC800] =	vst v63  }
0xb1: {  	_ =	swait.ge [sflag:s13], $0x1400  }
0xb2: {  	[sflag:s13] =	ssyncset.done $0x0  }
0xb3: {  	[sflag:s13] =	ssyncadd.s32 $0xFFFFEC00  }
0xb4: {  	s16 =	sadd.s32 $0x1, s16;
	_ =	swait.ge [sflag:s15], $0x1400  }
0xb5: {  	p0 =	sne.s32 s16, s7;
	[sflag:s15] =	ssyncset.done $0x0  }
.Ltmp4:
0xb6: {  	[sflag:s15] =	ssyncadd.s32 $0xFFFFEC00;
	(pc) =	sbr.rel @p0 .LBB2_1-.Ltmp4, $4  }
0xb7: {  	[hbm4b:s6+s8] =	stream.strided.scatter [tilespmem:s14], [sflag:$0x3], $0x5000, s9, s8, $0x38;
	[tilespmem:$0xC800] =	vst v63  }
0xb8: {  	_ =	swait.ge [sflag:s11], $0x5000  }
0xb9: {  	[sflag:s11] =	ssyncset.done $0x0  }
0xba: {  	[sflag:s11] =	ssyncadd.s32 $0xFFFFB000  }
0xbb: {  	_ =	sfence.sel $0x180000  }
0xbc: {  	[bflag:$0x0] =	sbarrier.arrive $0xFFFF  }
0xbd: {  	p0 =	sne.s32 s0, $0x0;
	_ =	strace $0x9000004D  }
0xbe: {  	s0 =	sadd.s32 @!p0 $0x100000, s1;
	[bflag:$0x2] =	sbarrier.arrive $0xFFFF  }
0xbf: {  	[sflag:s0] =	ssyncadd.tile.s32 @!p0 $0x1;
	_ =	shalt  }
.Lfunc_end2:
_tile_overlayer_lowered:
.L_overlay_start_2:
0xc0: {  	(tag) =	ssettag $0x2  }
0xc1: {  	s0 =	rddreg [dreg:$0x0];
	s2 =	stileid.u32  }
0xc2: {  	s1 =	rddreg [dreg:$0x1];
	p0 =	sne.s32 s2, $0x0  }
0xc3: {  	s3 =	rddreg [dreg:$0x2];
	[bflag:$0x3] =	sbarrier.arrive $0xFFFF;
	s2 =	simm.s32 @!p0 $0x1C03  }
0xc4: {  	[timem:s3], [sflag:s2] =	dma.local @!p0 [hbm:s0], s1  }
0xc5: {  	s0 =	simm.s32 @!p0 $0x3  }
0xc6: {  	_ =	swait.ge @!p0 [sflag:s0], s1  }
0xc7: {  	s1 =	ssub.s32 @!p0 $0x0, s1;
	[sflag:s0] =	ssyncset.done @!p0 $0x0  }
0xc8: {  	[sflag:s0] =	ssyncadd.s32 @!p0 s1  }
0xc9: {  	[bflag:$0x3] =	sbarrier.arrive $0xFFFF  }
0xca: {  	_ =	shalt  }

</sc_bundles>
